<compile_context>
chip_gen: v7x
topology: tpu7x:2x2x1
jax: 0.10.2.dev20260603
libtpu: 0.0.44.dev20260713+nightly
codegen_flags: <defaults>
</compile_context>

<pallas_src>
import functools

import jax
import jax.numpy as jnp
from jax import lax
from jax.experimental import pallas as pl
from jax.experimental.pallas import tpu as pltpu
from jax.experimental.pallas import tpu_sc as plsc

B, N, D = 8, 16384, 64
P, L = 1024, 8
H = 64
BP = B * P
ITEMS = BP * L

NC, NS = 2, 16
NW = NC * NS
PER_W = ITEMS // NW
CH = 128
NCHUNK = PER_W // CH


NBUF = 4


@functools.cache
def _make_sc_gather():
    mesh = plsc.VectorSubcoreMesh(core_axis_name="c", subcore_axis_name="s")

    @functools.partial(
        pl.kernel,
        mesh=mesh,
        out_type=jax.ShapeDtypeStruct((ITEMS, 2 * D), jnp.float32),
        scratch_types=[
            pltpu.VMEM((NCHUNK, CH), jnp.int32),
            pltpu.VMEM((NCHUNK, CH), jnp.int32),
            pltpu.VMEM((NBUF, CH, D), jnp.float32),
            pltpu.VMEM((NBUF, CH, D), jnp.float32),
            pltpu.SemaphoreType.DMA,
            pltpu.SemaphoreType.DMA,
        ],
        compiler_params=pltpu.CompilerParams(use_tc_tiling_on_sc=False),
    )
    def sc_gather(graph_hbm, rel_hbm, idxn_hbm, idxr_hbm, out_hbm,
                  idxn_v, idxr_v, bufn, bufr, semn, semr):
        wid = lax.axis_index("s") * NC + lax.axis_index("c")
        row0 = wid * NCHUNK
        pltpu.sync_copy(idxn_hbm.at[pl.ds(row0, NCHUNK)], idxn_v)
        pltpu.sync_copy(idxr_hbm.at[pl.ds(row0, NCHUNK)], idxr_v)
        base = wid * PER_W

        def body(i, carry):
            copies = []
            for b in range(NBUF):
                ch = i * NBUF + b
                cn = pltpu.async_copy(graph_hbm.at[idxn_v.at[ch]], bufn.at[b], semn)
                cr = pltpu.async_copy(rel_hbm.at[idxr_v.at[ch]], bufr.at[b], semr)
                copies.append((cn, cr))
            for b in range(NBUF):
                ch = i * NBUF + b
                rows = pl.ds(base + ch * CH, CH)
                cn, cr = copies[b]
                cn.wait()
                pltpu.sync_copy(bufn.at[b], out_hbm.at[rows, pl.ds(0, D)])
                cr.wait()
                pltpu.sync_copy(bufr.at[b], out_hbm.at[rows, pl.ds(D, D)])
            return carry

        lax.fori_loop(0, NCHUNK // NBUF, body, 0)

    return sc_gather


BLK = 2048
_PREC = lax.Precision.DEFAULT


def _lstm_body(x_ref, wT_ref, whhT_ref, bias_ref, out_ref):
    x = x_ref[...].reshape(L * BLK, 2 * D).astype(jnp.bfloat16)
    gx = (jnp.dot(x, wT_ref[...], preferred_element_type=jnp.float32)
          + bias_ref[...])
    whhT = whhT_ref[...]
    h = jnp.zeros((BLK, H), jnp.float32)
    c = jnp.zeros((BLK, H), jnp.float32)
    for l in range(L):
        g = gx[l * BLK:(l + 1) * BLK] + jnp.dot(
            h.astype(jnp.bfloat16), whhT, preferred_element_type=jnp.float32)
        i = jax.nn.sigmoid(g[:, 0:H])
        f = jax.nn.sigmoid(g[:, H:2 * H])
        gg = jnp.tanh(g[:, 2 * H:3 * H])
        o = jax.nn.sigmoid(g[:, 3 * H:4 * H])
        c = f * c + i * gg
        h = o * jnp.tanh(c)
    out_ref[...] = h


def _attn_body(po_ref, nopt_ref, wqT_ref, bq_ref, wkT_ref, wvT_ref, bk_ref,
               bv_ref, woT_ref, bo_ref, out_ref):
    po = po_ref[...]
    k = jnp.dot(po, wkT_ref[...], precision=_PREC) + bk_ref[...]
    v = jnp.dot(po, wvT_ref[...], precision=_PREC) + bv_ref[...]
    q = jnp.dot(nopt_ref[...], wqT_ref[...], precision=_PREC) + bq_ref[...]
    k3 = k.reshape(B, P, H)
    scores = jnp.sum(q[:, None, :] * k3, axis=-1) * 0.125
    m = jnp.max(scores, axis=-1, keepdims=True)
    e = jnp.exp(scores - m)
    w = e / jnp.sum(e, axis=-1, keepdims=True)
    attn = jnp.sum(w[:, :, None] * v.reshape(B, P, H), axis=1)
    out_ref[...] = jnp.dot(attn, woT_ref[...], precision=_PREC) + bo_ref[...]


def kernel(graph_embed, paths_nodes, paths_rels, node_opt, rel_embeds,
           W_ih, W_hh, b_ih, b_hh, in_proj_w, in_proj_b, out_proj_w, out_proj_b):
    graph_flat = graph_embed.reshape(B * N, D)
    idx_n = (jnp.transpose(paths_nodes, (2, 0, 1)).astype(jnp.int32)
             + (jnp.arange(B, dtype=jnp.int32) * N)[None, :, None])
    idx_n = idx_n.reshape(ITEMS // CH, CH)
    idx_r = jnp.transpose(paths_rels, (2, 0, 1)).astype(jnp.int32)
    idx_r = idx_r.reshape(ITEMS // CH, CH)

    x_seq = _make_sc_gather()(graph_flat, rel_embeds, idx_n, idx_r)
    x_seq = x_seq.reshape(L, BP, 2 * D)

    wT = W_ih.T.astype(jnp.bfloat16)
    whhT = W_hh.T.astype(jnp.bfloat16)
    bias = (b_ih + b_hh)[None, :]

    paths_out = pl.pallas_call(
        _lstm_body,
        grid=(BP // BLK,),
        in_specs=[
            pl.BlockSpec((L, BLK, 2 * D), lambda i: (0, i, 0)),
            pl.BlockSpec((2 * D, 4 * H), lambda i: (0, 0)),
            pl.BlockSpec((H, 4 * H), lambda i: (0, 0)),
            pl.BlockSpec((1, 4 * H), lambda i: (0, 0)),
        ],
        out_specs=pl.BlockSpec((BLK, H), lambda i: (i, 0)),
        out_shape=jax.ShapeDtypeStruct((BP, H), jnp.float32),
    )(x_seq, wT, whhT, bias)

    Wq, Wk, Wv = in_proj_w[:H], in_proj_w[H:2 * H], in_proj_w[2 * H:]
    bq, bk, bv = in_proj_b[:H], in_proj_b[H:2 * H], in_proj_b[2 * H:]

    out = pl.pallas_call(
        _attn_body,
        in_specs=[
            pl.BlockSpec((BP, H), lambda: (0, 0)),
            pl.BlockSpec((B, H), lambda: (0, 0)),
            pl.BlockSpec((H, H), lambda: (0, 0)),
            pl.BlockSpec((1, H), lambda: (0, 0)),
            pl.BlockSpec((H, H), lambda: (0, 0)),
            pl.BlockSpec((H, H), lambda: (0, 0)),
            pl.BlockSpec((1, H), lambda: (0, 0)),
            pl.BlockSpec((1, H), lambda: (0, 0)),
            pl.BlockSpec((H, H), lambda: (0, 0)),
            pl.BlockSpec((1, H), lambda: (0, 0)),
        ],
        out_specs=pl.BlockSpec((B, H), lambda: (0, 0)),
        out_shape=jax.ShapeDtypeStruct((B, H), jnp.float32),
    )(paths_out, node_opt, Wq.T, bq[None, :], Wk.T, Wv.T, bk[None, :],
      bv[None, :], out_proj_w.T, out_proj_b[None, :])
    return out

# --- scband reference (transcript-rebuilt; emitter-appended) ---
"""Pipeline reference for scband-path-model-11536282157158 (READ-ONLY COPY).

The authoritative reference and input builder live on the scoring server;
editing this copy changes nothing except your own understanding.
"""

import jax, jax.numpy as jnp
import numpy as np

B, N, D = 8, 16384, 64      # samples, nodes per sample graph, rel_dim (rgcn_hidden_size)
P, L = 1024, 8              # paths per sample, items per path
H = 64                      # rnn_hidden_size (unidirectional, 1 layer) == rnn_opt_dim
NUM_RELS = 237


def setup_inputs(seed: int = 0) -> dict:
    key = jax.random.key(seed)
    ks = jax.random.split(key, 12)
    s = 1.0 / np.sqrt(H)
    inp = {
        'graph_embed': jax.random.normal(ks[0], (B, N, D), jnp.float32),
        'paths_nodes': jax.random.randint(ks[1], (B, P, L), 0, N),
        'paths_rels': jax.random.randint(ks[2], (B, P, L), 0, NUM_RELS * 2),
        'node_opt': jax.random.normal(ks[3], (B, H), jnp.float32),
        'rel_embeds': jax.random.normal(ks[4], (NUM_RELS * 2, D), jnp.float32) * 0.1,
        'W_ih': jax.random.uniform(ks[5], (4 * H, 2 * D), jnp.float32, -s, s),
        'W_hh': jax.random.uniform(ks[6], (4 * H, H), jnp.float32, -s, s),
        'b_ih': jax.random.uniform(ks[7], (4 * H,), jnp.float32, -s, s),
        'b_hh': jax.random.uniform(ks[8], (4 * H,), jnp.float32, -s, s),
        'in_proj_w': jax.random.uniform(ks[9], (3 * H, H), jnp.float32, -s, s),
        'in_proj_b': jnp.zeros((3 * H,), jnp.float32),
        'out_proj_w': jax.random.uniform(ks[10], (H, H), jnp.float32, -s, s),
        'out_proj_b': jnp.zeros((H,), jnp.float32),
    }
    return inp


def reference(graph_embed, paths_nodes, paths_rels, node_opt, rel_embeds,
              W_ih, W_hh, b_ih, b_hh, in_proj_w, in_proj_b, out_proj_w, out_proj_b):
    b, n, d = graph_embed.shape
    _, p, l = paths_nodes.shape
    h_dim = W_hh.shape[1]
    # gather node embeddings from each sample's graph and rel embeddings from shared table
    node_emb = graph_embed[jnp.arange(b)[:, None, None], paths_nodes]   # [B,P,L,D]
    rel_emb = rel_embeds[paths_rels]                                    # [B,P,L,D]
    seq = jnp.concatenate([node_emb, rel_emb], axis=-1).reshape(b * p, l, 2 * d)
    xs = jnp.transpose(seq, (1, 0, 2))  # [L, B*P, 2D]
    h0 = jnp.zeros((b * p, h_dim), jnp.float32)
    c0 = jnp.zeros((b * p, h_dim), jnp.float32)

    def step(carry, x_t):
        h, c = carry
        g = x_t @ W_ih.T + h @ W_hh.T + b_ih + b_hh
        i, f, gg, o = jnp.split(g, 4, axis=-1)  # PyTorch LSTM gate order i,f,g,o
        i = jax.nn.sigmoid(i)
        f = jax.nn.sigmoid(f)
        gg = jnp.tanh(gg)
        o = jax.nn.sigmoid(o)
        c = f * c + i * gg
        h = o * jnp.tanh(c)
        return (h, c), None

    (hL, _cL), _ = jax.lax.scan(step, (h0, c0), xs)
    paths_out = hL.reshape(b, p, h_dim)  # last-timestep output per path

    # 1-head multihead attention: query = node_opt (len 1), key/value = path outputs
    Wq, Wk, Wv = jnp.split(in_proj_w, 3, axis=0)
    bq, bk, bv = jnp.split(in_proj_b, 3)
    q = node_opt @ Wq.T + bq              # [B,H]
    k = paths_out @ Wk.T + bk             # [B,P,H]
    v = paths_out @ Wv.T + bv             # [B,P,H]
    scores = jnp.einsum('bd,bpd->bp', q, k) / jnp.sqrt(jnp.asarray(h_dim, jnp.float32))
    w = jax.nn.softmax(scores, axis=-1)
    attn = jnp.einsum('bp,bpd->bd', w, v)
    out = attn @ out_proj_w.T + out_proj_b  # [B,H]
    return out

if __name__ == "__main__":
    import jax
    _d = setup_inputs()
    print(jax.jit(kernel)(*tuple(_d.values())))

</pallas_src>

<mosaic_0001>
#map = affine_map<(d0, d1) -> (0, 0)>
module attributes {stable_mosaic.version = 14 : i64} {
  func.func @sc_gather(%arg0: i32, %arg1: i32, %arg2: memref<131072x64xf32, #tpu.memory_space<hbm>>, %arg3: memref<474x64xf32, #tpu.memory_space<hbm>>, %arg4: memref<512x128xi32, #tpu.memory_space<hbm>>, %arg5: memref<512x128xi32, #tpu.memory_space<hbm>>, %arg6: memref<65536x128xf32, #tpu.memory_space<hbm>>, %arg7: memref<16x128xi32, #tpu.memory_space<vmem>>, %arg8: memref<16x128xi32, #tpu.memory_space<vmem>>, %arg9: memref<4x128x64xf32, #tpu.memory_space<vmem>>, %arg10: memref<4x128x64xf32, #tpu.memory_space<vmem>>, %arg11: memref<!tpu.dma_semaphore, #tpu.memory_space<semaphore_mem>>, %arg12: memref<!tpu.dma_semaphore, #tpu.memory_space<semaphore_mem>>) attributes {dimension_semantics = [#tpu.dimension_semantics<core_parallel>, #tpu.dimension_semantics<subcore_parallel>], iteration_bounds = array<i64: 2, 16>, scalar_prefetch = 0 : i64, scratch_operands = 6 : i64, tpu.core_type = #tpu.core_type<sc_vector_subcore>, window_params = [{transform_indices = #map}, {transform_indices = #map}, {transform_indices = #map}, {transform_indices = #map}, {transform_indices = #map}]} {
    %mul3A = arith.constant 2 : i32
    %mul3A_0 = arith.muli %arg1, %mul3A : i32
    %add3A = arith.addi %mul3A_0, %arg0 : i32
    %mul3A_1 = arith.constant 16 : i32
    %mul3A_2 = arith.muli %add3A, %mul3A_1 : i32
    "tpu.region"() ({
      %run_scoped3A = tpu.sem_alloc : memref<!tpu.dma_semaphore, #tpu.memory_space<semaphore_mem>>
      %dma_start3A = arith.constant 0 : i32
      %dma_start3A_10 = tpu.memref_slice %arg4[%mul3A_2, %dma_start3A] : memref<512x128xi32, #tpu.memory_space<hbm>> -> memref<16x128xi32, #tpu.memory_space<hbm>>
      %dma_start3A_11 = arith.constant 0 : i32
      %dma_start3A_12 = tpu.memref_slice %arg4[%mul3A_2, %dma_start3A_11] : memref<512x128xi32, #tpu.memory_space<hbm>> -> memref<16x128xi32, #tpu.memory_space<hbm>>
      tpu.enqueue_dma source(%dma_start3A_12 : memref<16x128xi32, #tpu.memory_space<hbm>>) target(%arg7 : memref<16x128xi32, #tpu.memory_space<vmem>>) target_semaphore(%run_scoped3A : memref<!tpu.dma_semaphore, #tpu.memory_space<semaphore_mem>>)
      %dma_wait3A = arith.constant 0 : i32
      %dma_wait3A_13 = tpu.memref_slice %arg4[%mul3A_2, %dma_wait3A] : memref<512x128xi32, #tpu.memory_space<hbm>> -> memref<16x128xi32, #tpu.memory_space<hbm>>
      %dma_wait3A_14 = arith.constant 0 : i32
      %dma_wait3A_15 = tpu.memref_slice %arg4[%mul3A_2, %dma_wait3A_14] : memref<512x128xi32, #tpu.memory_space<hbm>> -> memref<16x128xi32, #tpu.memory_space<hbm>>
      tpu.wait_dma2 semaphore(%run_scoped3A : memref<!tpu.dma_semaphore, #tpu.memory_space<semaphore_mem>>) src(%dma_wait3A_15 : memref<16x128xi32, #tpu.memory_space<hbm>>) dst(%arg7 : memref<16x128xi32, #tpu.memory_space<vmem>>)
      tpu.yield
    }) : () -> ()
    "tpu.region"() ({
      %run_scoped3A = tpu.sem_alloc : memref<!tpu.dma_semaphore, #tpu.memory_space<semaphore_mem>>
      %dma_start3A = arith.constant 0 : i32
      %dma_start3A_10 = tpu.memref_slice %arg5[%mul3A_2, %dma_start3A] : memref<512x128xi32, #tpu.memory_space<hbm>> -> memref<16x128xi32, #tpu.memory_space<hbm>>
      %dma_start3A_11 = arith.constant 0 : i32
      %dma_start3A_12 = tpu.memref_slice %arg5[%mul3A_2, %dma_start3A_11] : memref<512x128xi32, #tpu.memory_space<hbm>> -> memref<16x128xi32, #tpu.memory_space<hbm>>
      tpu.enqueue_dma source(%dma_start3A_12 : memref<16x128xi32, #tpu.memory_space<hbm>>) target(%arg8 : memref<16x128xi32, #tpu.memory_space<vmem>>) target_semaphore(%run_scoped3A : memref<!tpu.dma_semaphore, #tpu.memory_space<semaphore_mem>>)
      %dma_wait3A = arith.constant 0 : i32
      %dma_wait3A_13 = tpu.memref_slice %arg5[%mul3A_2, %dma_wait3A] : memref<512x128xi32, #tpu.memory_space<hbm>> -> memref<16x128xi32, #tpu.memory_space<hbm>>
      %dma_wait3A_14 = arith.constant 0 : i32
      %dma_wait3A_15 = tpu.memref_slice %arg5[%mul3A_2, %dma_wait3A_14] : memref<512x128xi32, #tpu.memory_space<hbm>> -> memref<16x128xi32, #tpu.memory_space<hbm>>
      tpu.wait_dma2 semaphore(%run_scoped3A : memref<!tpu.dma_semaphore, #tpu.memory_space<semaphore_mem>>) src(%dma_wait3A_15 : memref<16x128xi32, #tpu.memory_space<hbm>>) dst(%arg8 : memref<16x128xi32, #tpu.memory_space<vmem>>)
      tpu.yield
    }) : () -> ()
    %mul3A_3 = arith.constant 2048 : i32
    %mul3A_4 = arith.muli %add3A, %mul3A_3 : i32
    %scan3A = arith.constant 0 : i32
    %scan3A_5 = arith.constant 0 : i32
    %scan3A_6 = arith.constant 4 : i32
    %scan3A_7 = arith.addi %scan3A_5, %scan3A_6 : i32
    %scan3A_8 = arith.constant 1 : i32
    scf.for %scan3A_10 = %scan3A_5 to %scan3A_7 step %scan3A_8  : i32 {
      %mul3A_11 = arith.constant 4 : i32
      %mul3A_12 = arith.muli %scan3A_10, %mul3A_11 : i32
      %add3A_13 = arith.constant 0 : i32
      %add3A_14 = arith.addi %mul3A_12, %add3A_13 : i32
      %dma_start3A = arith.constant 0 : i32
      %dma_start3A_15 = arith.constant 0 : i32
      %dma_start3A_16 = arith.constant 0 : i32
      %dma_start3A_17 = tpu.memref_slice %arg9[%dma_start3A, %dma_start3A_15, %dma_start3A_16] : memref<4x128x64xf32, #tpu.memory_space<vmem>> -> memref<1x128x64xf32, #tpu.memory_space<vmem>>
      %dma_start3A_18 = tpu.memref_squeeze %dma_start3A_17 : memref<1x128x64xf32, #tpu.memory_space<vmem>> -> memref<128x64xf32, #tpu.memory_space<vmem>>
      %dma_start3A_19 = arith.constant 0 : i32
      %dma_start3A_20 = tpu.memref_slice %arg7[%add3A_14, %dma_start3A_19] : memref<16x128xi32, #tpu.memory_space<vmem>> -> memref<1x128xi32, #tpu.memory_space<vmem>>
      %dma_start3A_21 = tpu.memref_squeeze %dma_start3A_20 : memref<1x128xi32, #tpu.memory_space<vmem>> -> memref<128xi32, #tpu.memory_space<vmem>>
      %dma_start3A_22 = arith.constant 0 : i32
      %dma_start3A_23 = arith.constant 0 : i32
      %dma_start3A_24 = tpu.memref_slice %arg2[%dma_start3A_22, %dma_start3A_23] : memref<131072x64xf32, #tpu.memory_space<hbm>> -> memref<131072x64xf32, #tpu.memory_space<hbm>>
      tpu.enqueue_indirect_dma source(%dma_start3A_24 : memref<131072x64xf32, #tpu.memory_space<hbm>>) target(%dma_start3A_18 : memref<128x64xf32, #tpu.memory_space<vmem>>) offsets(%dma_start3A_21 : memref<128xi32, #tpu.memory_space<vmem>>) semaphore(%arg11 : memref<!tpu.dma_semaphore, #tpu.memory_space<semaphore_mem>>)
      %dma_start3A_25 = arith.constant 0 : i32
      %dma_start3A_26 = arith.constant 0 : i32
      %dma_start3A_27 = arith.constant 0 : i32
      %dma_start3A_28 = tpu.memref_slice %arg10[%dma_start3A_25, %dma_start3A_26, %dma_start3A_27] : memref<4x128x64xf32, #tpu.memory_space<vmem>> -> memref<1x128x64xf32, #tpu.memory_space<vmem>>
      %dma_start3A_29 = tpu.memref_squeeze %dma_start3A_28 : memref<1x128x64xf32, #tpu.memory_space<vmem>> -> memref<128x64xf32, #tpu.memory_space<vmem>>
      %dma_start3A_30 = arith.constant 0 : i32
      %dma_start3A_31 = tpu.memref_slice %arg8[%add3A_14, %dma_start3A_30] : memref<16x128xi32, #tpu.memory_space<vmem>> -> memref<1x128xi32, #tpu.memory_space<vmem>>
      %dma_start3A_32 = tpu.memref_squeeze %dma_start3A_31 : memref<1x128xi32, #tpu.memory_space<vmem>> -> memref<128xi32, #tpu.memory_space<vmem>>
      %dma_start3A_33 = arith.constant 0 : i32
      %dma_start3A_34 = arith.constant 0 : i32
      %dma_start3A_35 = tpu.memref_slice %arg3[%dma_start3A_33, %dma_start3A_34] : memref<474x64xf32, #tpu.memory_space<hbm>> -> memref<474x64xf32, #tpu.memory_space<hbm>>
      tpu.enqueue_indirect_dma source(%dma_start3A_35 : memref<474x64xf32, #tpu.memory_space<hbm>>) target(%dma_start3A_29 : memref<128x64xf32, #tpu.memory_space<vmem>>) offsets(%dma_start3A_32 : memref<128xi32, #tpu.memory_space<vmem>>) semaphore(%arg12 : memref<!tpu.dma_semaphore, #tpu.memory_space<semaphore_mem>>)
      %mul3A_36 = arith.constant 4 : i32
      %mul3A_37 = arith.muli %scan3A_10, %mul3A_36 : i32
      %add3A_38 = arith.constant 1 : i32
      %add3A_39 = arith.addi %mul3A_37, %add3A_38 : i32
      %dma_start3A_40 = arith.constant 1 : i32
      %dma_start3A_41 = arith.constant 0 : i32
      %dma_start3A_42 = arith.constant 0 : i32
      %dma_start3A_43 = tpu.memref_slice %arg9[%dma_start3A_40, %dma_start3A_41, %dma_start3A_42] : memref<4x128x64xf32, #tpu.memory_space<vmem>> -> memref<1x128x64xf32, #tpu.memory_space<vmem>>
      %dma_start3A_44 = tpu.memref_squeeze %dma_start3A_43 : memref<1x128x64xf32, #tpu.memory_space<vmem>> -> memref<128x64xf32, #tpu.memory_space<vmem>>
      %dma_start3A_45 = arith.constant 0 : i32
      %dma_start3A_46 = tpu.memref_slice %arg7[%add3A_39, %dma_start3A_45] : memref<16x128xi32, #tpu.memory_space<vmem>> -> memref<1x128xi32, #tpu.memory_space<vmem>>
      %dma_start3A_47 = tpu.memref_squeeze %dma_start3A_46 : memref<1x128xi32, #tpu.memory_space<vmem>> -> memref<128xi32, #tpu.memory_space<vmem>>
      %dma_start3A_48 = arith.constant 0 : i32
      %dma_start3A_49 = arith.constant 0 : i32
      %dma_start3A_50 = tpu.memref_slice %arg2[%dma_start3A_48, %dma_start3A_49] : memref<131072x64xf32, #tpu.memory_space<hbm>> -> memref<131072x64xf32, #tpu.memory_space<hbm>>
      tpu.enqueue_indirect_dma source(%dma_start3A_50 : memref<131072x64xf32, #tpu.memory_space<hbm>>) target(%dma_start3A_44 : memref<128x64xf32, #tpu.memory_space<vmem>>) offsets(%dma_start3A_47 : memref<128xi32, #tpu.memory_space<vmem>>) semaphore(%arg11 : memref<!tpu.dma_semaphore, #tpu.memory_space<semaphore_mem>>)
      %dma_start3A_51 = arith.constant 1 : i32
      %dma_start3A_52 = arith.constant 0 : i32
      %dma_start3A_53 = arith.constant 0 : i32
      %dma_start3A_54 = tpu.memref_slice %arg10[%dma_start3A_51, %dma_start3A_52, %dma_start3A_53] : memref<4x128x64xf32, #tpu.memory_space<vmem>> -> memref<1x128x64xf32, #tpu.memory_space<vmem>>
      %dma_start3A_55 = tpu.memref_squeeze %dma_start3A_54 : memref<1x128x64xf32, #tpu.memory_space<vmem>> -> memref<128x64xf32, #tpu.memory_space<vmem>>
      %dma_start3A_56 = arith.constant 0 : i32
      %dma_start3A_57 = tpu.memref_slice %arg8[%add3A_39, %dma_start3A_56] : memref<16x128xi32, #tpu.memory_space<vmem>> -> memref<1x128xi32, #tpu.memory_space<vmem>>
      %dma_start3A_58 = tpu.memref_squeeze %dma_start3A_57 : memref<1x128xi32, #tpu.memory_space<vmem>> -> memref<128xi32, #tpu.memory_space<vmem>>
      %dma_start3A_59 = arith.constant 0 : i32
      %dma_start3A_60 = arith.constant 0 : i32
      %dma_start3A_61 = tpu.memref_slice %arg3[%dma_start3A_59, %dma_start3A_60] : memref<474x64xf32, #tpu.memory_space<hbm>> -> memref<474x64xf32, #tpu.memory_space<hbm>>
      tpu.enqueue_indirect_dma source(%dma_start3A_61 : memref<474x64xf32, #tpu.memory_space<hbm>>) target(%dma_start3A_55 : memref<128x64xf32, #tpu.memory_space<vmem>>) offsets(%dma_start3A_58 : memref<128xi32, #tpu.memory_space<vmem>>) semaphore(%arg12 : memref<!tpu.dma_semaphore, #tpu.memory_space<semaphore_mem>>)
      %mul3A_62 = arith.constant 4 : i32
      %mul3A_63 = arith.muli %scan3A_10, %mul3A_62 : i32
      %add3A_64 = arith.constant 2 : i32
      %add3A_65 = arith.addi %mul3A_63, %add3A_64 : i32
      %dma_start3A_66 = arith.constant 2 : i32
      %dma_start3A_67 = arith.constant 0 : i32
      %dma_start3A_68 = arith.constant 0 : i32
      %dma_start3A_69 = tpu.memref_slice %arg9[%dma_start3A_66, %dma_start3A_67, %dma_start3A_68] : memref<4x128x64xf32, #tpu.memory_space<vmem>> -> memref<1x128x64xf32, #tpu.memory_space<vmem>>
      %dma_start3A_70 = tpu.memref_squeeze %dma_start3A_69 : memref<1x128x64xf32, #tpu.memory_space<vmem>> -> memref<128x64xf32, #tpu.memory_space<vmem>>
      %dma_start3A_71 = arith.constant 0 : i32
      %dma_start3A_72 = tpu.memref_slice %arg7[%add3A_65, %dma_start3A_71] : memref<16x128xi32, #tpu.memory_space<vmem>> -> memref<1x128xi32, #tpu.memory_space<vmem>>
      %dma_start3A_73 = tpu.memref_squeeze %dma_start3A_72 : memref<1x128xi32, #tpu.memory_space<vmem>> -> memref<128xi32, #tpu.memory_space<vmem>>
      %dma_start3A_74 = arith.constant 0 : i32
      %dma_start3A_75 = arith.constant 0 : i32
      %dma_start3A_76 = tpu.memref_slice %arg2[%dma_start3A_74, %dma_start3A_75] : memref<131072x64xf32, #tpu.memory_space<hbm>> -> memref<131072x64xf32, #tpu.memory_space<hbm>>
      tpu.enqueue_indirect_dma source(%dma_start3A_76 : memref<131072x64xf32, #tpu.memory_space<hbm>>) target(%dma_start3A_70 : memref<128x64xf32, #tpu.memory_space<vmem>>) offsets(%dma_start3A_73 : memref<128xi32, #tpu.memory_space<vmem>>) semaphore(%arg11 : memref<!tpu.dma_semaphore, #tpu.memory_space<semaphore_mem>>)
      %dma_start3A_77 = arith.constant 2 : i32
      %dma_start3A_78 = arith.constant 0 : i32
      %dma_start3A_79 = arith.constant 0 : i32
      %dma_start3A_80 = tpu.memref_slice %arg10[%dma_start3A_77, %dma_start3A_78, %dma_start3A_79] : memref<4x128x64xf32, #tpu.memory_space<vmem>> -> memref<1x128x64xf32, #tpu.memory_space<vmem>>
      %dma_start3A_81 = tpu.memref_squeeze %dma_start3A_80 : memref<1x128x64xf32, #tpu.memory_space<vmem>> -> memref<128x64xf32, #tpu.memory_space<vmem>>
      %dma_start3A_82 = arith.constant 0 : i32
      %dma_start3A_83 = tpu.memref_slice %arg8[%add3A_65, %dma_start3A_82] : memref<16x128xi32, #tpu.memory_space<vmem>> -> memref<1x128xi32, #tpu.memory_space<vmem>>
      %dma_start3A_84 = tpu.memref_squeeze %dma_start3A_83 : memref<1x128xi32, #tpu.memory_space<vmem>> -> memref<128xi32, #tpu.memory_space<vmem>>
      %dma_start3A_85 = arith.constant 0 : i32
      %dma_start3A_86 = arith.constant 0 : i32
      %dma_start3A_87 = tpu.memref_slice %arg3[%dma_start3A_85, %dma_start3A_86] : memref<474x64xf32, #tpu.memory_space<hbm>> -> memref<474x64xf32, #tpu.memory_space<hbm>>
      tpu.enqueue_indirect_dma source(%dma_start3A_87 : memref<474x64xf32, #tpu.memory_space<hbm>>) target(%dma_start3A_81 : memref<128x64xf32, #tpu.memory_space<vmem>>) offsets(%dma_start3A_84 : memref<128xi32, #tpu.memory_space<vmem>>) semaphore(%arg12 : memref<!tpu.dma_semaphore, #tpu.memory_space<semaphore_mem>>)
      %mul3A_88 = arith.constant 4 : i32
      %mul3A_89 = arith.muli %scan3A_10, %mul3A_88 : i32
      %add3A_90 = arith.constant 3 : i32
      %add3A_91 = arith.addi %mul3A_89, %add3A_90 : i32
      %dma_start3A_92 = arith.constant 3 : i32
      %dma_start3A_93 = arith.constant 0 : i32
      %dma_start3A_94 = arith.constant 0 : i32
      %dma_start3A_95 = tpu.memref_slice %arg9[%dma_start3A_92, %dma_start3A_93, %dma_start3A_94] : memref<4x128x64xf32, #tpu.memory_space<vmem>> -> memref<1x128x64xf32, #tpu.memory_space<vmem>>
      %dma_start3A_96 = tpu.memref_squeeze %dma_start3A_95 : memref<1x128x64xf32, #tpu.memory_space<vmem>> -> memref<128x64xf32, #tpu.memory_space<vmem>>
      %dma_start3A_97 = arith.constant 0 : i32
      %dma_start3A_98 = tpu.memref_slice %arg7[%add3A_91, %dma_start3A_97] : memref<16x128xi32, #tpu.memory_space<vmem>> -> memref<1x128xi32, #tpu.memory_space<vmem>>
      %dma_start3A_99 = tpu.memref_squeeze %dma_start3A_98 : memref<1x128xi32, #tpu.memory_space<vmem>> -> memref<128xi32, #tpu.memory_space<vmem>>
      %dma_start3A_100 = arith.constant 0 : i32
      %dma_start3A_101 = arith.constant 0 : i32
      %dma_start3A_102 = tpu.memref_slice %arg2[%dma_start3A_100, %dma_start3A_101] : memref<131072x64xf32, #tpu.memory_space<hbm>> -> memref<131072x64xf32, #tpu.memory_space<hbm>>
      tpu.enqueue_indirect_dma source(%dma_start3A_102 : memref<131072x64xf32, #tpu.memory_space<hbm>>) target(%dma_start3A_96 : memref<128x64xf32, #tpu.memory_space<vmem>>) offsets(%dma_start3A_99 : memref<128xi32, #tpu.memory_space<vmem>>) semaphore(%arg11 : memref<!tpu.dma_semaphore, #tpu.memory_space<semaphore_mem>>)
      %dma_start3A_103 = arith.constant 3 : i32
      %dma_start3A_104 = arith.constant 0 : i32
      %dma_start3A_105 = arith.constant 0 : i32
      %dma_start3A_106 = tpu.memref_slice %arg10[%dma_start3A_103, %dma_start3A_104, %dma_start3A_105] : memref<4x128x64xf32, #tpu.memory_space<vmem>> -> memref<1x128x64xf32, #tpu.memory_space<vmem>>
      %dma_start3A_107 = tpu.memref_squeeze %dma_start3A_106 : memref<1x128x64xf32, #tpu.memory_space<vmem>> -> memref<128x64xf32, #tpu.memory_space<vmem>>
      %dma_start3A_108 = arith.constant 0 : i32
      %dma_start3A_109 = tpu.memref_slice %arg8[%add3A_91, %dma_start3A_108] : memref<16x128xi32, #tpu.memory_space<vmem>> -> memref<1x128xi32, #tpu.memory_space<vmem>>
      %dma_start3A_110 = tpu.memref_squeeze %dma_start3A_109 : memref<1x128xi32, #tpu.memory_space<vmem>> -> memref<128xi32, #tpu.memory_space<vmem>>
      %dma_start3A_111 = arith.constant 0 : i32
      %dma_start3A_112 = arith.constant 0 : i32
      %dma_start3A_113 = tpu.memref_slice %arg3[%dma_start3A_111, %dma_start3A_112] : memref<474x64xf32, #tpu.memory_space<hbm>> -> memref<474x64xf32, #tpu.memory_space<hbm>>
      tpu.enqueue_indirect_dma source(%dma_start3A_113 : memref<474x64xf32, #tpu.memory_space<hbm>>) target(%dma_start3A_107 : memref<128x64xf32, #tpu.memory_space<vmem>>) offsets(%dma_start3A_110 : memref<128xi32, #tpu.memory_space<vmem>>) semaphore(%arg12 : memref<!tpu.dma_semaphore, #tpu.memory_space<semaphore_mem>>)
      %mul3A_114 = arith.constant 4 : i32
      %mul3A_115 = arith.muli %scan3A_10, %mul3A_114 : i32
      %add3A_116 = arith.constant 0 : i32
      %add3A_117 = arith.addi %mul3A_115, %add3A_116 : i32
      %mul3A_118 = arith.constant 128 : i32
      %mul3A_119 = arith.muli %add3A_117, %mul3A_118 : i32
      %add3A_120 = arith.addi %mul3A_4, %mul3A_119 : i32
      %dma_wait3A = arith.constant 0 : i32
      %dma_wait3A_121 = arith.constant 0 : i32
      %dma_wait3A_122 = arith.constant 0 : i32
      %dma_wait3A_123 = tpu.memref_slice %arg9[%dma_wait3A, %dma_wait3A_121, %dma_wait3A_122] : memref<4x128x64xf32, #tpu.memory_space<vmem>> -> memref<1x128x64xf32, #tpu.memory_space<vmem>>
      %dma_wait3A_124 = tpu.memref_squeeze %dma_wait3A_123 : memref<1x128x64xf32, #tpu.memory_space<vmem>> -> memref<128x64xf32, #tpu.memory_space<vmem>>
      %dma_wait3A_125 = arith.constant 0 : i32
      %dma_wait3A_126 = tpu.memref_slice %arg7[%add3A_14, %dma_wait3A_125] : memref<16x128xi32, #tpu.memory_space<vmem>> -> memref<1x128xi32, #tpu.memory_space<vmem>>
      %dma_wait3A_127 = tpu.memref_squeeze %dma_wait3A_126 : memref<1x128xi32, #tpu.memory_space<vmem>> -> memref<128xi32, #tpu.memory_space<vmem>>
      %dma_wait3A_128 = arith.constant 0 : i32
      %dma_wait3A_129 = arith.constant 0 : i32
      %dma_wait3A_130 = tpu.memref_slice %arg2[%dma_wait3A_128, %dma_wait3A_129] : memref<131072x64xf32, #tpu.memory_space<hbm>> -> memref<131072x64xf32, #tpu.memory_space<hbm>>
      tpu.wait_indirect_dma semaphore(%arg11 : memref<!tpu.dma_semaphore, #tpu.memory_space<semaphore_mem>>) src(%dma_wait3A_130 : memref<131072x64xf32, #tpu.memory_space<hbm>>) dst(%dma_wait3A_124 : memref<128x64xf32, #tpu.memory_space<vmem>>)
      %run_scoped3A = arith.constant 0 : i32
      "tpu.region"() ({
        %run_scoped3A_236 = tpu.sem_alloc : memref<!tpu.dma_semaphore, #tpu.memory_space<semaphore_mem>>
        %dma_start3A_237 = arith.constant 0 : i32
        %dma_start3A_238 = arith.constant 0 : i32
        %dma_start3A_239 = tpu.memref_slice %arg9[%run_scoped3A, %dma_start3A_237, %dma_start3A_238] : memref<4x128x64xf32, #tpu.memory_space<vmem>> -> memref<1x128x64xf32, #tpu.memory_space<vmem>>
        %dma_start3A_240 = tpu.memref_squeeze %dma_start3A_239 : memref<1x128x64xf32, #tpu.memory_space<vmem>> -> memref<128x64xf32, #tpu.memory_space<vmem>>
        %dma_start3A_241 = arith.constant 0 : i32
        %dma_start3A_242 = tpu.memref_slice %arg6[%add3A_120, %dma_start3A_241] : memref<65536x128xf32, #tpu.memory_space<hbm>> -> memref<128x64xf32, #tpu.memory_space<hbm>>
        %dma_start3A_243 = arith.constant 0 : i32
        %dma_start3A_244 = tpu.memref_slice %arg6[%add3A_120, %dma_start3A_243] : memref<65536x128xf32, #tpu.memory_space<hbm>> -> memref<128x64xf32, #tpu.memory_space<hbm>>
        %dma_start3A_245 = arith.constant 0 : i32
        %dma_start3A_246 = arith.constant 0 : i32
        %dma_start3A_247 = tpu.memref_slice %arg9[%run_scoped3A, %dma_start3A_245, %dma_start3A_246] : memref<4x128x64xf32, #tpu.memory_space<vmem>> -> memref<1x128x64xf32, #tpu.memory_space<vmem>>
        %dma_start3A_248 = tpu.memref_squeeze %dma_start3A_247 : memref<1x128x64xf32, #tpu.memory_space<vmem>> -> memref<128x64xf32, #tpu.memory_space<vmem>>
        tpu.enqueue_dma source(%dma_start3A_248 : memref<128x64xf32, #tpu.memory_space<vmem>>) target(%dma_start3A_244 : memref<128x64xf32, #tpu.memory_space<hbm>>) target_semaphore(%run_scoped3A_236 : memref<!tpu.dma_semaphore, #tpu.memory_space<semaphore_mem>>)
        %dma_wait3A_249 = arith.constant 0 : i32
        %dma_wait3A_250 = arith.constant 0 : i32
        %dma_wait3A_251 = tpu.memref_slice %arg9[%run_scoped3A, %dma_wait3A_249, %dma_wait3A_250] : memref<4x128x64xf32, #tpu.memory_space<vmem>> -> memref<1x128x64xf32, #tpu.memory_space<vmem>>
        %dma_wait3A_252 = tpu.memref_squeeze %dma_wait3A_251 : memref<1x128x64xf32, #tpu.memory_space<vmem>> -> memref<128x64xf32, #tpu.memory_space<vmem>>
        %dma_wait3A_253 = arith.constant 0 : i32
        %dma_wait3A_254 = tpu.memref_slice %arg6[%add3A_120, %dma_wait3A_253] : memref<65536x128xf32, #tpu.memory_space<hbm>> -> memref<128x64xf32, #tpu.memory_space<hbm>>
        %dma_wait3A_255 = arith.constant 0 : i32
        %dma_wait3A_256 = tpu.memref_slice %arg6[%add3A_120, %dma_wait3A_255] : memref<65536x128xf32, #tpu.memory_space<hbm>> -> memref<128x64xf32, #tpu.memory_space<hbm>>
        %dma_wait3A_257 = arith.constant 0 : i32
        %dma_wait3A_258 = arith.constant 0 : i32
        %dma_wait3A_259 = tpu.memref_slice %arg9[%run_scoped3A, %dma_wait3A_257, %dma_wait3A_258] : memref<4x128x64xf32, #tpu.memory_space<vmem>> -> memref<1x128x64xf32, #tpu.memory_space<vmem>>
        %dma_wait3A_260 = tpu.memref_squeeze %dma_wait3A_259 : memref<1x128x64xf32, #tpu.memory_space<vmem>> -> memref<128x64xf32, #tpu.memory_space<vmem>>
        tpu.wait_dma2 semaphore(%run_scoped3A_236 : memref<!tpu.dma_semaphore, #tpu.memory_space<semaphore_mem>>) src(%dma_wait3A_260 : memref<128x64xf32, #tpu.memory_space<vmem>>) dst(%dma_wait3A_256 : memref<128x64xf32, #tpu.memory_space<hbm>>)
        tpu.yield
      }) : () -> ()
      %dma_wait3A_131 = arith.constant 0 : i32
      %dma_wait3A_132 = arith.constant 0 : i32
      %dma_wait3A_133 = arith.constant 0 : i32
      %dma_wait3A_134 = tpu.memref_slice %arg10[%dma_wait3A_131, %dma_wait3A_132, %dma_wait3A_133] : memref<4x128x64xf32, #tpu.memory_space<vmem>> -> memref<1x128x64xf32, #tpu.memory_space<vmem>>
      %dma_wait3A_135 = tpu.memref_squeeze %dma_wait3A_134 : memref<1x128x64xf32, #tpu.memory_space<vmem>> -> memref<128x64xf32, #tpu.memory_space<vmem>>
      %dma_wait3A_136 = arith.constant 0 : i32
      %dma_wait3A_137 = tpu.memref_slice %arg8[%add3A_14, %dma_wait3A_136] : memref<16x128xi32, #tpu.memory_space<vmem>> -> memref<1x128xi32, #tpu.memory_space<vmem>>
      %dma_wait3A_138 = tpu.memref_squeeze %dma_wait3A_137 : memref<1x128xi32, #tpu.memory_space<vmem>> -> memref<128xi32, #tpu.memory_space<vmem>>
      %dma_wait3A_139 = arith.constant 0 : i32
      %dma_wait3A_140 = arith.constant 0 : i32
      %dma_wait3A_141 = tpu.memref_slice %arg3[%dma_wait3A_139, %dma_wait3A_140] : memref<474x64xf32, #tpu.memory_space<hbm>> -> memref<474x64xf32, #tpu.memory_space<hbm>>
      tpu.wait_indirect_dma semaphore(%arg12 : memref<!tpu.dma_semaphore, #tpu.memory_space<semaphore_mem>>) src(%dma_wait3A_141 : memref<474x64xf32, #tpu.memory_space<hbm>>) dst(%dma_wait3A_135 : memref<128x64xf32, #tpu.memory_space<vmem>>)
      %run_scoped3A_142 = arith.constant 0 : i32
      "tpu.region"() ({
        %run_scoped3A_236 = tpu.sem_alloc : memref<!tpu.dma_semaphore, #tpu.memory_space<semaphore_mem>>
        %dma_start3A_237 = arith.constant 0 : i32
        %dma_start3A_238 = arith.constant 0 : i32
        %dma_start3A_239 = tpu.memref_slice %arg10[%run_scoped3A_142, %dma_start3A_237, %dma_start3A_238] : memref<4x128x64xf32, #tpu.memory_space<vmem>> -> memref<1x128x64xf32, #tpu.memory_space<vmem>>
        %dma_start3A_240 = tpu.memref_squeeze %dma_start3A_239 : memref<1x128x64xf32, #tpu.memory_space<vmem>> -> memref<128x64xf32, #tpu.memory_space<vmem>>
        %dma_start3A_241 = arith.constant 64 : i32
        %dma_start3A_242 = tpu.memref_slice %arg6[%add3A_120, %dma_start3A_241] : memref<65536x128xf32, #tpu.memory_space<hbm>> -> memref<128x64xf32, #tpu.memory_space<hbm>>
        %dma_start3A_243 = arith.constant 64 : i32
        %dma_start3A_244 = tpu.memref_slice %arg6[%add3A_120, %dma_start3A_243] : memref<65536x128xf32, #tpu.memory_space<hbm>> -> memref<128x64xf32, #tpu.memory_space<hbm>>
        %dma_start3A_245 = arith.constant 0 : i32
        %dma_start3A_246 = arith.constant 0 : i32
        %dma_start3A_247 = tpu.memref_slice %arg10[%run_scoped3A_142, %dma_start3A_245, %dma_start3A_246] : memref<4x128x64xf32, #tpu.memory_space<vmem>> -> memref<1x128x64xf32, #tpu.memory_space<vmem>>
        %dma_start3A_248 = tpu.memref_squeeze %dma_start3A_247 : memref<1x128x64xf32, #tpu.memory_space<vmem>> -> memref<128x64xf32, #tpu.memory_space<vmem>>
        tpu.enqueue_dma source(%dma_start3A_248 : memref<128x64xf32, #tpu.memory_space<vmem>>) target(%dma_start3A_244 : memref<128x64xf32, #tpu.memory_space<hbm>>) target_semaphore(%run_scoped3A_236 : memref<!tpu.dma_semaphore, #tpu.memory_space<semaphore_mem>>)
        %dma_wait3A_249 = arith.constant 0 : i32
        %dma_wait3A_250 = arith.constant 0 : i32
        %dma_wait3A_251 = tpu.memref_slice %arg10[%run_scoped3A_142, %dma_wait3A_249, %dma_wait3A_250] : memref<4x128x64xf32, #tpu.memory_space<vmem>> -> memref<1x128x64xf32, #tpu.memory_space<vmem>>
        %dma_wait3A_252 = tpu.memref_squeeze %dma_wait3A_251 : memref<1x128x64xf32, #tpu.memory_space<vmem>> -> memref<128x64xf32, #tpu.memory_space<vmem>>
        %dma_wait3A_253 = arith.constant 64 : i32
        %dma_wait3A_254 = tpu.memref_slice %arg6[%add3A_120, %dma_wait3A_253] : memref<65536x128xf32, #tpu.memory_space<hbm>> -> memref<128x64xf32, #tpu.memory_space<hbm>>
        %dma_wait3A_255 = arith.constant 64 : i32
        %dma_wait3A_256 = tpu.memref_slice %arg6[%add3A_120, %dma_wait3A_255] : memref<65536x128xf32, #tpu.memory_space<hbm>> -> memref<128x64xf32, #tpu.memory_space<hbm>>
        %dma_wait3A_257 = arith.constant 0 : i32
        %dma_wait3A_258 = arith.constant 0 : i32
        %dma_wait3A_259 = tpu.memref_slice %arg10[%run_scoped3A_142, %dma_wait3A_257, %dma_wait3A_258] : memref<4x128x64xf32, #tpu.memory_space<vmem>> -> memref<1x128x64xf32, #tpu.memory_space<vmem>>
        %dma_wait3A_260 = tpu.memref_squeeze %dma_wait3A_259 : memref<1x128x64xf32, #tpu.memory_space<vmem>> -> memref<128x64xf32, #tpu.memory_space<vmem>>
        tpu.wait_dma2 semaphore(%run_scoped3A_236 : memref<!tpu.dma_semaphore, #tpu.memory_space<semaphore_mem>>) src(%dma_wait3A_260 : memref<128x64xf32, #tpu.memory_space<vmem>>) dst(%dma_wait3A_256 : memref<128x64xf32, #tpu.memory_space<hbm>>)
        tpu.yield
      }) : () -> ()
      %mul3A_143 = arith.constant 4 : i32
      %mul3A_144 = arith.muli %scan3A_10, %mul3A_143 : i32
      %add3A_145 = arith.constant 1 : i32
      %add3A_146 = arith.addi %mul3A_144, %add3A_145 : i32
      %mul3A_147 = arith.constant 128 : i32
      %mul3A_148 = arith.muli %add3A_146, %mul3A_147 : i32
      %add3A_149 = arith.addi %mul3A_4, %mul3A_148 : i32
      %dma_wait3A_150 = arith.constant 1 : i32
      %dma_wait3A_151 = arith.constant 0 : i32
      %dma_wait3A_152 = arith.constant 0 : i32
      %dma_wait3A_153 = tpu.memref_slice %arg9[%dma_wait3A_150, %dma_wait3A_151, %dma_wait3A_152] : memref<4x128x64xf32, #tpu.memory_space<vmem>> -> memref<1x128x64xf32, #tpu.memory_space<vmem>>
      %dma_wait3A_154 = tpu.memref_squeeze %dma_wait3A_153 : memref<1x128x64xf32, #tpu.memory_space<vmem>> -> memref<128x64xf32, #tpu.memory_space<vmem>>
      %dma_wait3A_155 = arith.constant 0 : i32
      %dma_wait3A_156 = tpu.memref_slice %arg7[%add3A_39, %dma_wait3A_155] : memref<16x128xi32, #tpu.memory_space<vmem>> -> memref<1x128xi32, #tpu.memory_space<vmem>>
      %dma_wait3A_157 = tpu.memref_squeeze %dma_wait3A_156 : memref<1x128xi32, #tpu.memory_space<vmem>> -> memref<128xi32, #tpu.memory_space<vmem>>
      %dma_wait3A_158 = arith.constant 0 : i32
      %dma_wait3A_159 = arith.constant 0 : i32
      %dma_wait3A_160 = tpu.memref_slice %arg2[%dma_wait3A_158, %dma_wait3A_159] : memref<131072x64xf32, #tpu.memory_space<hbm>> -> memref<131072x64xf32, #tpu.memory_space<hbm>>
      tpu.wait_indirect_dma semaphore(%arg11 : memref<!tpu.dma_semaphore, #tpu.memory_space<semaphore_mem>>) src(%dma_wait3A_160 : memref<131072x64xf32, #tpu.memory_space<hbm>>) dst(%dma_wait3A_154 : memref<128x64xf32, #tpu.memory_space<vmem>>)
      %run_scoped3A_161 = arith.constant 1 : i32
      "tpu.region"() ({
        %run_scoped3A_236 = tpu.sem_alloc : memref<!tpu.dma_semaphore, #tpu.memory_space<semaphore_mem>>
        %dma_start3A_237 = arith.constant 0 : i32
        %dma_start3A_238 = arith.constant 0 : i32
        %dma_start3A_239 = tpu.memref_slice %arg9[%run_scoped3A_161, %dma_start3A_237, %dma_start3A_238] : memref<4x128x64xf32, #tpu.memory_space<vmem>> -> memref<1x128x64xf32, #tpu.memory_space<vmem>>
        %dma_start3A_240 = tpu.memref_squeeze %dma_start3A_239 : memref<1x128x64xf32, #tpu.memory_space<vmem>> -> memref<128x64xf32, #tpu.memory_space<vmem>>
        %dma_start3A_241 = arith.constant 0 : i32
        %dma_start3A_242 = tpu.memref_slice %arg6[%add3A_149, %dma_start3A_241] : memref<65536x128xf32, #tpu.memory_space<hbm>> -> memref<128x64xf32, #tpu.memory_space<hbm>>
        %dma_start3A_243 = arith.constant 0 : i32
        %dma_start3A_244 = tpu.memref_slice %arg6[%add3A_149, %dma_start3A_243] : memref<65536x128xf32, #tpu.memory_space<hbm>> -> memref<128x64xf32, #tpu.memory_space<hbm>>
        %dma_start3A_245 = arith.constant 0 : i32
        %dma_start3A_246 = arith.constant 0 : i32
        %dma_start3A_247 = tpu.memref_slice %arg9[%run_scoped3A_161, %dma_start3A_245, %dma_start3A_246] : memref<4x128x64xf32, #tpu.memory_space<vmem>> -> memref<1x128x64xf32, #tpu.memory_space<vmem>>
        %dma_start3A_248 = tpu.memref_squeeze %dma_start3A_247 : memref<1x128x64xf32, #tpu.memory_space<vmem>> -> memref<128x64xf32, #tpu.memory_space<vmem>>
        tpu.enqueue_dma source(%dma_start3A_248 : memref<128x64xf32, #tpu.memory_space<vmem>>) target(%dma_start3A_244 : memref<128x64xf32, #tpu.memory_space<hbm>>) target_semaphore(%run_scoped3A_236 : memref<!tpu.dma_semaphore, #tpu.memory_space<semaphore_mem>>)
        %dma_wait3A_249 = arith.constant 0 : i32
        %dma_wait3A_250 = arith.constant 0 : i32
        %dma_wait3A_251 = tpu.memref_slice %arg9[%run_scoped3A_161, %dma_wait3A_249, %dma_wait3A_250] : memref<4x128x64xf32, #tpu.memory_space<vmem>> -> memref<1x128x64xf32, #tpu.memory_space<vmem>>
        %dma_wait3A_252 = tpu.memref_squeeze %dma_wait3A_251 : memref<1x128x64xf32, #tpu.memory_space<vmem>> -> memref<128x64xf32, #tpu.memory_space<vmem>>
        %dma_wait3A_253 = arith.constant 0 : i32
        %dma_wait3A_254 = tpu.memref_slice %arg6[%add3A_149, %dma_wait3A_253] : memref<65536x128xf32, #tpu.memory_space<hbm>> -> memref<128x64xf32, #tpu.memory_space<hbm>>
        %dma_wait3A_255 = arith.constant 0 : i32
        %dma_wait3A_256 = tpu.memref_slice %arg6[%add3A_149, %dma_wait3A_255] : memref<65536x128xf32, #tpu.memory_space<hbm>> -> memref<128x64xf32, #tpu.memory_space<hbm>>
        %dma_wait3A_257 = arith.constant 0 : i32
        %dma_wait3A_258 = arith.constant 0 : i32
        %dma_wait3A_259 = tpu.memref_slice %arg9[%run_scoped3A_161, %dma_wait3A_257, %dma_wait3A_258] : memref<4x128x64xf32, #tpu.memory_space<vmem>> -> memref<1x128x64xf32, #tpu.memory_space<vmem>>
        %dma_wait3A_260 = tpu.memref_squeeze %dma_wait3A_259 : memref<1x128x64xf32, #tpu.memory_space<vmem>> -> memref<128x64xf32, #tpu.memory_space<vmem>>
        tpu.wait_dma2 semaphore(%run_scoped3A_236 : memref<!tpu.dma_semaphore, #tpu.memory_space<semaphore_mem>>) src(%dma_wait3A_260 : memref<128x64xf32, #tpu.memory_space<vmem>>) dst(%dma_wait3A_256 : memref<128x64xf32, #tpu.memory_space<hbm>>)
        tpu.yield
      }) : () -> ()
      %dma_wait3A_162 = arith.constant 1 : i32
      %dma_wait3A_163 = arith.constant 0 : i32
      %dma_wait3A_164 = arith.constant 0 : i32
      %dma_wait3A_165 = tpu.memref_slice %arg10[%dma_wait3A_162, %dma_wait3A_163, %dma_wait3A_164] : memref<4x128x64xf32, #tpu.memory_space<vmem>> -> memref<1x128x64xf32, #tpu.memory_space<vmem>>
      %dma_wait3A_166 = tpu.memref_squeeze %dma_wait3A_165 : memref<1x128x64xf32, #tpu.memory_space<vmem>> -> memref<128x64xf32, #tpu.memory_space<vmem>>
      %dma_wait3A_167 = arith.constant 0 : i32
      %dma_wait3A_168 = tpu.memref_slice %arg8[%add3A_39, %dma_wait3A_167] : memref<16x128xi32, #tpu.memory_space<vmem>> -> memref<1x128xi32, #tpu.memory_space<vmem>>
      %dma_wait3A_169 = tpu.memref_squeeze %dma_wait3A_168 : memref<1x128xi32, #tpu.memory_space<vmem>> -> memref<128xi32, #tpu.memory_space<vmem>>
      %dma_wait3A_170 = arith.constant 0 : i32
      %dma_wait3A_171 = arith.constant 0 : i32
      %dma_wait3A_172 = tpu.memref_slice %arg3[%dma_wait3A_170, %dma_wait3A_171] : memref<474x64xf32, #tpu.memory_space<hbm>> -> memref<474x64xf32, #tpu.memory_space<hbm>>
      tpu.wait_indirect_dma semaphore(%arg12 : memref<!tpu.dma_semaphore, #tpu.memory_space<semaphore_mem>>) src(%dma_wait3A_172 : memref<474x64xf32, #tpu.memory_space<hbm>>) dst(%dma_wait3A_166 : memref<128x64xf32, #tpu.memory_space<vmem>>)
      %run_scoped3A_173 = arith.constant 1 : i32
      "tpu.region"() ({
        %run_scoped3A_236 = tpu.sem_alloc : memref<!tpu.dma_semaphore, #tpu.memory_space<semaphore_mem>>
        %dma_start3A_237 = arith.constant 0 : i32
        %dma_start3A_238 = arith.constant 0 : i32
        %dma_start3A_239 = tpu.memref_slice %arg10[%run_scoped3A_173, %dma_start3A_237, %dma_start3A_238] : memref<4x128x64xf32, #tpu.memory_space<vmem>> -> memref<1x128x64xf32, #tpu.memory_space<vmem>>
        %dma_start3A_240 = tpu.memref_squeeze %dma_start3A_239 : memref<1x128x64xf32, #tpu.memory_space<vmem>> -> memref<128x64xf32, #tpu.memory_space<vmem>>
        %dma_start3A_241 = arith.constant 64 : i32
        %dma_start3A_242 = tpu.memref_slice %arg6[%add3A_149, %dma_start3A_241] : memref<65536x128xf32, #tpu.memory_space<hbm>> -> memref<128x64xf32, #tpu.memory_space<hbm>>
        %dma_start3A_243 = arith.constant 64 : i32
        %dma_start3A_244 = tpu.memref_slice %arg6[%add3A_149, %dma_start3A_243] : memref<65536x128xf32, #tpu.memory_space<hbm>> -> memref<128x64xf32, #tpu.memory_space<hbm>>
        %dma_start3A_245 = arith.constant 0 : i32
        %dma_start3A_246 = arith.constant 0 : i32
        %dma_start3A_247 = tpu.memref_slice %arg10[%run_scoped3A_173, %dma_start3A_245, %dma_start3A_246] : memref<4x128x64xf32, #tpu.memory_space<vmem>> -> memref<1x128x64xf32, #tpu.memory_space<vmem>>
        %dma_start3A_248 = tpu.memref_squeeze %dma_start3A_247 : memref<1x128x64xf32, #tpu.memory_space<vmem>> -> memref<128x64xf32, #tpu.memory_space<vmem>>
        tpu.enqueue_dma source(%dma_start3A_248 : memref<128x64xf32, #tpu.memory_space<vmem>>) target(%dma_start3A_244 : memref<128x64xf32, #tpu.memory_space<hbm>>) target_semaphore(%run_scoped3A_236 : memref<!tpu.dma_semaphore, #tpu.memory_space<semaphore_mem>>)
        %dma_wait3A_249 = arith.constant 0 : i32
        %dma_wait3A_250 = arith.constant 0 : i32
        %dma_wait3A_251 = tpu.memref_slice %arg10[%run_scoped3A_173, %dma_wait3A_249, %dma_wait3A_250] : memref<4x128x64xf32, #tpu.memory_space<vmem>> -> memref<1x128x64xf32, #tpu.memory_space<vmem>>
        %dma_wait3A_252 = tpu.memref_squeeze %dma_wait3A_251 : memref<1x128x64xf32, #tpu.memory_space<vmem>> -> memref<128x64xf32, #tpu.memory_space<vmem>>
        %dma_wait3A_253 = arith.constant 64 : i32
        %dma_wait3A_254 = tpu.memref_slice %arg6[%add3A_149, %dma_wait3A_253] : memref<65536x128xf32, #tpu.memory_space<hbm>> -> memref<128x64xf32, #tpu.memory_space<hbm>>
        %dma_wait3A_255 = arith.constant 64 : i32
        %dma_wait3A_256 = tpu.memref_slice %arg6[%add3A_149, %dma_wait3A_255] : memref<65536x128xf32, #tpu.memory_space<hbm>> -> memref<128x64xf32, #tpu.memory_space<hbm>>
        %dma_wait3A_257 = arith.constant 0 : i32
        %dma_wait3A_258 = arith.constant 0 : i32
        %dma_wait3A_259 = tpu.memref_slice %arg10[%run_scoped3A_173, %dma_wait3A_257, %dma_wait3A_258] : memref<4x128x64xf32, #tpu.memory_space<vmem>> -> memref<1x128x64xf32, #tpu.memory_space<vmem>>
        %dma_wait3A_260 = tpu.memref_squeeze %dma_wait3A_259 : memref<1x128x64xf32, #tpu.memory_space<vmem>> -> memref<128x64xf32, #tpu.memory_space<vmem>>
        tpu.wait_dma2 semaphore(%run_scoped3A_236 : memref<!tpu.dma_semaphore, #tpu.memory_space<semaphore_mem>>) src(%dma_wait3A_260 : memref<128x64xf32, #tpu.memory_space<vmem>>) dst(%dma_wait3A_256 : memref<128x64xf32, #tpu.memory_space<hbm>>)
        tpu.yield
      }) : () -> ()
      %mul3A_174 = arith.constant 4 : i32
      %mul3A_175 = arith.muli %scan3A_10, %mul3A_174 : i32
      %add3A_176 = arith.constant 2 : i32
      %add3A_177 = arith.addi %mul3A_175, %add3A_176 : i32
      %mul3A_178 = arith.constant 128 : i32
      %mul3A_179 = arith.muli %add3A_177, %mul3A_178 : i32
      %add3A_180 = arith.addi %mul3A_4, %mul3A_179 : i32
      %dma_wait3A_181 = arith.constant 2 : i32
      %dma_wait3A_182 = arith.constant 0 : i32
      %dma_wait3A_183 = arith.constant 0 : i32
      %dma_wait3A_184 = tpu.memref_slice %arg9[%dma_wait3A_181, %dma_wait3A_182, %dma_wait3A_183] : memref<4x128x64xf32, #tpu.memory_space<vmem>> -> memref<1x128x64xf32, #tpu.memory_space<vmem>>
      %dma_wait3A_185 = tpu.memref_squeeze %dma_wait3A_184 : memref<1x128x64xf32, #tpu.memory_space<vmem>> -> memref<128x64xf32, #tpu.memory_space<vmem>>
      %dma_wait3A_186 = arith.constant 0 : i32
      %dma_wait3A_187 = tpu.memref_slice %arg7[%add3A_65, %dma_wait3A_186] : memref<16x128xi32, #tpu.memory_space<vmem>> -> memref<1x128xi32, #tpu.memory_space<vmem>>
      %dma_wait3A_188 = tpu.memref_squeeze %dma_wait3A_187 : memref<1x128xi32, #tpu.memory_space<vmem>> -> memref<128xi32, #tpu.memory_space<vmem>>
      %dma_wait3A_189 = arith.constant 0 : i32
      %dma_wait3A_190 = arith.constant 0 : i32
      %dma_wait3A_191 = tpu.memref_slice %arg2[%dma_wait3A_189, %dma_wait3A_190] : memref<131072x64xf32, #tpu.memory_space<hbm>> -> memref<131072x64xf32, #tpu.memory_space<hbm>>
      tpu.wait_indirect_dma semaphore(%arg11 : memref<!tpu.dma_semaphore, #tpu.memory_space<semaphore_mem>>) src(%dma_wait3A_191 : memref<131072x64xf32, #tpu.memory_space<hbm>>) dst(%dma_wait3A_185 : memref<128x64xf32, #tpu.memory_space<vmem>>)
      %run_scoped3A_192 = arith.constant 2 : i32
      "tpu.region"() ({
        %run_scoped3A_236 = tpu.sem_alloc : memref<!tpu.dma_semaphore, #tpu.memory_space<semaphore_mem>>
        %dma_start3A_237 = arith.constant 0 : i32
        %dma_start3A_238 = arith.constant 0 : i32
        %dma_start3A_239 = tpu.memref_slice %arg9[%run_scoped3A_192, %dma_start3A_237, %dma_start3A_238] : memref<4x128x64xf32, #tpu.memory_space<vmem>> -> memref<1x128x64xf32, #tpu.memory_space<vmem>>
        %dma_start3A_240 = tpu.memref_squeeze %dma_start3A_239 : memref<1x128x64xf32, #tpu.memory_space<vmem>> -> memref<128x64xf32, #tpu.memory_space<vmem>>
        %dma_start3A_241 = arith.constant 0 : i32
        %dma_start3A_242 = tpu.memref_slice %arg6[%add3A_180, %dma_start3A_241] : memref<65536x128xf32, #tpu.memory_space<hbm>> -> memref<128x64xf32, #tpu.memory_space<hbm>>
        %dma_start3A_243 = arith.constant 0 : i32
        %dma_start3A_244 = tpu.memref_slice %arg6[%add3A_180, %dma_start3A_243] : memref<65536x128xf32, #tpu.memory_space<hbm>> -> memref<128x64xf32, #tpu.memory_space<hbm>>
        %dma_start3A_245 = arith.constant 0 : i32
        %dma_start3A_246 = arith.constant 0 : i32
        %dma_start3A_247 = tpu.memref_slice %arg9[%run_scoped3A_192, %dma_start3A_245, %dma_start3A_246] : memref<4x128x64xf32, #tpu.memory_space<vmem>> -> memref<1x128x64xf32, #tpu.memory_space<vmem>>
        %dma_start3A_248 = tpu.memref_squeeze %dma_start3A_247 : memref<1x128x64xf32, #tpu.memory_space<vmem>> -> memref<128x64xf32, #tpu.memory_space<vmem>>
        tpu.enqueue_dma source(%dma_start3A_248 : memref<128x64xf32, #tpu.memory_space<vmem>>) target(%dma_start3A_244 : memref<128x64xf32, #tpu.memory_space<hbm>>) target_semaphore(%run_scoped3A_236 : memref<!tpu.dma_semaphore, #tpu.memory_space<semaphore_mem>>)
        %dma_wait3A_249 = arith.constant 0 : i32
        %dma_wait3A_250 = arith.constant 0 : i32
        %dma_wait3A_251 = tpu.memref_slice %arg9[%run_scoped3A_192, %dma_wait3A_249, %dma_wait3A_250] : memref<4x128x64xf32, #tpu.memory_space<vmem>> -> memref<1x128x64xf32, #tpu.memory_space<vmem>>
        %dma_wait3A_252 = tpu.memref_squeeze %dma_wait3A_251 : memref<1x128x64xf32, #tpu.memory_space<vmem>> -> memref<128x64xf32, #tpu.memory_space<vmem>>
        %dma_wait3A_253 = arith.constant 0 : i32
        %dma_wait3A_254 = tpu.memref_slice %arg6[%add3A_180, %dma_wait3A_253] : memref<65536x128xf32, #tpu.memory_space<hbm>> -> memref<128x64xf32, #tpu.memory_space<hbm>>
        %dma_wait3A_255 = arith.constant 0 : i32
        %dma_wait3A_256 = tpu.memref_slice %arg6[%add3A_180, %dma_wait3A_255] : memref<65536x128xf32, #tpu.memory_space<hbm>> -> memref<128x64xf32, #tpu.memory_space<hbm>>
        %dma_wait3A_257 = arith.constant 0 : i32
        %dma_wait3A_258 = arith.constant 0 : i32
        %dma_wait3A_259 = tpu.memref_slice %arg9[%run_scoped3A_192, %dma_wait3A_257, %dma_wait3A_258] : memref<4x128x64xf32, #tpu.memory_space<vmem>> -> memref<1x128x64xf32, #tpu.memory_space<vmem>>
        %dma_wait3A_260 = tpu.memref_squeeze %dma_wait3A_259 : memref<1x128x64xf32, #tpu.memory_space<vmem>> -> memref<128x64xf32, #tpu.memory_space<vmem>>
        tpu.wait_dma2 semaphore(%run_scoped3A_236 : memref<!tpu.dma_semaphore, #tpu.memory_space<semaphore_mem>>) src(%dma_wait3A_260 : memref<128x64xf32, #tpu.memory_space<vmem>>) dst(%dma_wait3A_256 : memref<128x64xf32, #tpu.memory_space<hbm>>)
        tpu.yield
      }) : () -> ()
      %dma_wait3A_193 = arith.constant 2 : i32
      %dma_wait3A_194 = arith.constant 0 : i32
      %dma_wait3A_195 = arith.constant 0 : i32
      %dma_wait3A_196 = tpu.memref_slice %arg10[%dma_wait3A_193, %dma_wait3A_194, %dma_wait3A_195] : memref<4x128x64xf32, #tpu.memory_space<vmem>> -> memref<1x128x64xf32, #tpu.memory_space<vmem>>
      %dma_wait3A_197 = tpu.memref_squeeze %dma_wait3A_196 : memref<1x128x64xf32, #tpu.memory_space<vmem>> -> memref<128x64xf32, #tpu.memory_space<vmem>>
      %dma_wait3A_198 = arith.constant 0 : i32
      %dma_wait3A_199 = tpu.memref_slice %arg8[%add3A_65, %dma_wait3A_198] : memref<16x128xi32, #tpu.memory_space<vmem>> -> memref<1x128xi32, #tpu.memory_space<vmem>>
      %dma_wait3A_200 = tpu.memref_squeeze %dma_wait3A_199 : memref<1x128xi32, #tpu.memory_space<vmem>> -> memref<128xi32, #tpu.memory_space<vmem>>
      %dma_wait3A_201 = arith.constant 0 : i32
      %dma_wait3A_202 = arith.constant 0 : i32
      %dma_wait3A_203 = tpu.memref_slice %arg3[%dma_wait3A_201, %dma_wait3A_202] : memref<474x64xf32, #tpu.memory_space<hbm>> -> memref<474x64xf32, #tpu.memory_space<hbm>>
      tpu.wait_indirect_dma semaphore(%arg12 : memref<!tpu.dma_semaphore, #tpu.memory_space<semaphore_mem>>) src(%dma_wait3A_203 : memref<474x64xf32, #tpu.memory_space<hbm>>) dst(%dma_wait3A_197 : memref<128x64xf32, #tpu.memory_space<vmem>>)
      %run_scoped3A_204 = arith.constant 2 : i32
      "tpu.region"() ({
        %run_scoped3A_236 = tpu.sem_alloc : memref<!tpu.dma_semaphore, #tpu.memory_space<semaphore_mem>>
        %dma_start3A_237 = arith.constant 0 : i32
        %dma_start3A_238 = arith.constant 0 : i32
        %dma_start3A_239 = tpu.memref_slice %arg10[%run_scoped3A_204, %dma_start3A_237, %dma_start3A_238] : memref<4x128x64xf32, #tpu.memory_space<vmem>> -> memref<1x128x64xf32, #tpu.memory_space<vmem>>
        %dma_start3A_240 = tpu.memref_squeeze %dma_start3A_239 : memref<1x128x64xf32, #tpu.memory_space<vmem>> -> memref<128x64xf32, #tpu.memory_space<vmem>>
        %dma_start3A_241 = arith.constant 64 : i32
        %dma_start3A_242 = tpu.memref_slice %arg6[%add3A_180, %dma_start3A_241] : memref<65536x128xf32, #tpu.memory_space<hbm>> -> memref<128x64xf32, #tpu.memory_space<hbm>>
        %dma_start3A_243 = arith.constant 64 : i32
        %dma_start3A_244 = tpu.memref_slice %arg6[%add3A_180, %dma_start3A_243] : memref<65536x128xf32, #tpu.memory_space<hbm>> -> memref<128x64xf32, #tpu.memory_space<hbm>>
        %dma_start3A_245 = arith.constant 0 : i32
        %dma_start3A_246 = arith.constant 0 : i32
        %dma_start3A_247 = tpu.memref_slice %arg10[%run_scoped3A_204, %dma_start3A_245, %dma_start3A_246] : memref<4x128x64xf32, #tpu.memory_space<vmem>> -> memref<1x128x64xf32, #tpu.memory_space<vmem>>
        %dma_start3A_248 = tpu.memref_squeeze %dma_start3A_247 : memref<1x128x64xf32, #tpu.memory_space<vmem>> -> memref<128x64xf32, #tpu.memory_space<vmem>>
        tpu.enqueue_dma source(%dma_start3A_248 : memref<128x64xf32, #tpu.memory_space<vmem>>) target(%dma_start3A_244 : memref<128x64xf32, #tpu.memory_space<hbm>>) target_semaphore(%run_scoped3A_236 : memref<!tpu.dma_semaphore, #tpu.memory_space<semaphore_mem>>)
        %dma_wait3A_249 = arith.constant 0 : i32
        %dma_wait3A_250 = arith.constant 0 : i32
        %dma_wait3A_251 = tpu.memref_slice %arg10[%run_scoped3A_204, %dma_wait3A_249, %dma_wait3A_250] : memref<4x128x64xf32, #tpu.memory_space<vmem>> -> memref<1x128x64xf32, #tpu.memory_space<vmem>>
        %dma_wait3A_252 = tpu.memref_squeeze %dma_wait3A_251 : memref<1x128x64xf32, #tpu.memory_space<vmem>> -> memref<128x64xf32, #tpu.memory_space<vmem>>
        %dma_wait3A_253 = arith.constant 64 : i32
        %dma_wait3A_254 = tpu.memref_slice %arg6[%add3A_180, %dma_wait3A_253] : memref<65536x128xf32, #tpu.memory_space<hbm>> -> memref<128x64xf32, #tpu.memory_space<hbm>>
        %dma_wait3A_255 = arith.constant 64 : i32
        %dma_wait3A_256 = tpu.memref_slice %arg6[%add3A_180, %dma_wait3A_255] : memref<65536x128xf32, #tpu.memory_space<hbm>> -> memref<128x64xf32, #tpu.memory_space<hbm>>
        %dma_wait3A_257 = arith.constant 0 : i32
        %dma_wait3A_258 = arith.constant 0 : i32
        %dma_wait3A_259 = tpu.memref_slice %arg10[%run_scoped3A_204, %dma_wait3A_257, %dma_wait3A_258] : memref<4x128x64xf32, #tpu.memory_space<vmem>> -> memref<1x128x64xf32, #tpu.memory_space<vmem>>
        %dma_wait3A_260 = tpu.memref_squeeze %dma_wait3A_259 : memref<1x128x64xf32, #tpu.memory_space<vmem>> -> memref<128x64xf32, #tpu.memory_space<vmem>>
        tpu.wait_dma2 semaphore(%run_scoped3A_236 : memref<!tpu.dma_semaphore, #tpu.memory_space<semaphore_mem>>) src(%dma_wait3A_260 : memref<128x64xf32, #tpu.memory_space<vmem>>) dst(%dma_wait3A_256 : memref<128x64xf32, #tpu.memory_space<hbm>>)
        tpu.yield
      }) : () -> ()
      %mul3A_205 = arith.constant 4 : i32
      %mul3A_206 = arith.muli %scan3A_10, %mul3A_205 : i32
      %add3A_207 = arith.constant 3 : i32
      %add3A_208 = arith.addi %mul3A_206, %add3A_207 : i32
      %mul3A_209 = arith.constant 128 : i32
      %mul3A_210 = arith.muli %add3A_208, %mul3A_209 : i32
      %add3A_211 = arith.addi %mul3A_4, %mul3A_210 : i32
      %dma_wait3A_212 = arith.constant 3 : i32
      %dma_wait3A_213 = arith.constant 0 : i32
      %dma_wait3A_214 = arith.constant 0 : i32
      %dma_wait3A_215 = tpu.memref_slice %arg9[%dma_wait3A_212, %dma_wait3A_213, %dma_wait3A_214] : memref<4x128x64xf32, #tpu.memory_space<vmem>> -> memref<1x128x64xf32, #tpu.memory_space<vmem>>
      %dma_wait3A_216 = tpu.memref_squeeze %dma_wait3A_215 : memref<1x128x64xf32, #tpu.memory_space<vmem>> -> memref<128x64xf32, #tpu.memory_space<vmem>>
      %dma_wait3A_217 = arith.constant 0 : i32
      %dma_wait3A_218 = tpu.memref_slice %arg7[%add3A_91, %dma_wait3A_217] : memref<16x128xi32, #tpu.memory_space<vmem>> -> memref<1x128xi32, #tpu.memory_space<vmem>>
      %dma_wait3A_219 = tpu.memref_squeeze %dma_wait3A_218 : memref<1x128xi32, #tpu.memory_space<vmem>> -> memref<128xi32, #tpu.memory_space<vmem>>
      %dma_wait3A_220 = arith.constant 0 : i32
      %dma_wait3A_221 = arith.constant 0 : i32
      %dma_wait3A_222 = tpu.memref_slice %arg2[%dma_wait3A_220, %dma_wait3A_221] : memref<131072x64xf32, #tpu.memory_space<hbm>> -> memref<131072x64xf32, #tpu.memory_space<hbm>>
      tpu.wait_indirect_dma semaphore(%arg11 : memref<!tpu.dma_semaphore, #tpu.memory_space<semaphore_mem>>) src(%dma_wait3A_222 : memref<131072x64xf32, #tpu.memory_space<hbm>>) dst(%dma_wait3A_216 : memref<128x64xf32, #tpu.memory_space<vmem>>)
      %run_scoped3A_223 = arith.constant 3 : i32
      "tpu.region"() ({
        %run_scoped3A_236 = tpu.sem_alloc : memref<!tpu.dma_semaphore, #tpu.memory_space<semaphore_mem>>
        %dma_start3A_237 = arith.constant 0 : i32
        %dma_start3A_238 = arith.constant 0 : i32
        %dma_start3A_239 = tpu.memref_slice %arg9[%run_scoped3A_223, %dma_start3A_237, %dma_start3A_238] : memref<4x128x64xf32, #tpu.memory_space<vmem>> -> memref<1x128x64xf32, #tpu.memory_space<vmem>>
        %dma_start3A_240 = tpu.memref_squeeze %dma_start3A_239 : memref<1x128x64xf32, #tpu.memory_space<vmem>> -> memref<128x64xf32, #tpu.memory_space<vmem>>
        %dma_start3A_241 = arith.constant 0 : i32
        %dma_start3A_242 = tpu.memref_slice %arg6[%add3A_211, %dma_start3A_241] : memref<65536x128xf32, #tpu.memory_space<hbm>> -> memref<128x64xf32, #tpu.memory_space<hbm>>
        %dma_start3A_243 = arith.constant 0 : i32
        %dma_start3A_244 = tpu.memref_slice %arg6[%add3A_211, %dma_start3A_243] : memref<65536x128xf32, #tpu.memory_space<hbm>> -> memref<128x64xf32, #tpu.memory_space<hbm>>
        %dma_start3A_245 = arith.constant 0 : i32
        %dma_start3A_246 = arith.constant 0 : i32
        %dma_start3A_247 = tpu.memref_slice %arg9[%run_scoped3A_223, %dma_start3A_245, %dma_start3A_246] : memref<4x128x64xf32, #tpu.memory_space<vmem>> -> memref<1x128x64xf32, #tpu.memory_space<vmem>>
        %dma_start3A_248 = tpu.memref_squeeze %dma_start3A_247 : memref<1x128x64xf32, #tpu.memory_space<vmem>> -> memref<128x64xf32, #tpu.memory_space<vmem>>
        tpu.enqueue_dma source(%dma_start3A_248 : memref<128x64xf32, #tpu.memory_space<vmem>>) target(%dma_start3A_244 : memref<128x64xf32, #tpu.memory_space<hbm>>) target_semaphore(%run_scoped3A_236 : memref<!tpu.dma_semaphore, #tpu.memory_space<semaphore_mem>>)
        %dma_wait3A_249 = arith.constant 0 : i32
        %dma_wait3A_250 = arith.constant 0 : i32
        %dma_wait3A_251 = tpu.memref_slice %arg9[%run_scoped3A_223, %dma_wait3A_249, %dma_wait3A_250] : memref<4x128x64xf32, #tpu.memory_space<vmem>> -> memref<1x128x64xf32, #tpu.memory_space<vmem>>
        %dma_wait3A_252 = tpu.memref_squeeze %dma_wait3A_251 : memref<1x128x64xf32, #tpu.memory_space<vmem>> -> memref<128x64xf32, #tpu.memory_space<vmem>>
        %dma_wait3A_253 = arith.constant 0 : i32
        %dma_wait3A_254 = tpu.memref_slice %arg6[%add3A_211, %dma_wait3A_253] : memref<65536x128xf32, #tpu.memory_space<hbm>> -> memref<128x64xf32, #tpu.memory_space<hbm>>
        %dma_wait3A_255 = arith.constant 0 : i32
        %dma_wait3A_256 = tpu.memref_slice %arg6[%add3A_211, %dma_wait3A_255] : memref<65536x128xf32, #tpu.memory_space<hbm>> -> memref<128x64xf32, #tpu.memory_space<hbm>>
        %dma_wait3A_257 = arith.constant 0 : i32
        %dma_wait3A_258 = arith.constant 0 : i32
        %dma_wait3A_259 = tpu.memref_slice %arg9[%run_scoped3A_223, %dma_wait3A_257, %dma_wait3A_258] : memref<4x128x64xf32, #tpu.memory_space<vmem>> -> memref<1x128x64xf32, #tpu.memory_space<vmem>>
        %dma_wait3A_260 = tpu.memref_squeeze %dma_wait3A_259 : memref<1x128x64xf32, #tpu.memory_space<vmem>> -> memref<128x64xf32, #tpu.memory_space<vmem>>
        tpu.wait_dma2 semaphore(%run_scoped3A_236 : memref<!tpu.dma_semaphore, #tpu.memory_space<semaphore_mem>>) src(%dma_wait3A_260 : memref<128x64xf32, #tpu.memory_space<vmem>>) dst(%dma_wait3A_256 : memref<128x64xf32, #tpu.memory_space<hbm>>)
        tpu.yield
      }) : () -> ()
      %dma_wait3A_224 = arith.constant 3 : i32
      %dma_wait3A_225 = arith.constant 0 : i32
      %dma_wait3A_226 = arith.constant 0 : i32
      %dma_wait3A_227 = tpu.memref_slice %arg10[%dma_wait3A_224, %dma_wait3A_225, %dma_wait3A_226] : memref<4x128x64xf32, #tpu.memory_space<vmem>> -> memref<1x128x64xf32, #tpu.memory_space<vmem>>
      %dma_wait3A_228 = tpu.memref_squeeze %dma_wait3A_227 : memref<1x128x64xf32, #tpu.memory_space<vmem>> -> memref<128x64xf32, #tpu.memory_space<vmem>>
      %dma_wait3A_229 = arith.constant 0 : i32
      %dma_wait3A_230 = tpu.memref_slice %arg8[%add3A_91, %dma_wait3A_229] : memref<16x128xi32, #tpu.memory_space<vmem>> -> memref<1x128xi32, #tpu.memory_space<vmem>>
      %dma_wait3A_231 = tpu.memref_squeeze %dma_wait3A_230 : memref<1x128xi32, #tpu.memory_space<vmem>> -> memref<128xi32, #tpu.memory_space<vmem>>
      %dma_wait3A_232 = arith.constant 0 : i32
      %dma_wait3A_233 = arith.constant 0 : i32
      %dma_wait3A_234 = tpu.memref_slice %arg3[%dma_wait3A_232, %dma_wait3A_233] : memref<474x64xf32, #tpu.memory_space<hbm>> -> memref<474x64xf32, #tpu.memory_space<hbm>>
      tpu.wait_indirect_dma semaphore(%arg12 : memref<!tpu.dma_semaphore, #tpu.memory_space<semaphore_mem>>) src(%dma_wait3A_234 : memref<474x64xf32, #tpu.memory_space<hbm>>) dst(%dma_wait3A_228 : memref<128x64xf32, #tpu.memory_space<vmem>>)
      %run_scoped3A_235 = arith.constant 3 : i32
      "tpu.region"() ({
        %run_scoped3A_236 = tpu.sem_alloc : memref<!tpu.dma_semaphore, #tpu.memory_space<semaphore_mem>>
        %dma_start3A_237 = arith.constant 0 : i32
        %dma_start3A_238 = arith.constant 0 : i32
        %dma_start3A_239 = tpu.memref_slice %arg10[%run_scoped3A_235, %dma_start3A_237, %dma_start3A_238] : memref<4x128x64xf32, #tpu.memory_space<vmem>> -> memref<1x128x64xf32, #tpu.memory_space<vmem>>
        %dma_start3A_240 = tpu.memref_squeeze %dma_start3A_239 : memref<1x128x64xf32, #tpu.memory_space<vmem>> -> memref<128x64xf32, #tpu.memory_space<vmem>>
        %dma_start3A_241 = arith.constant 64 : i32
        %dma_start3A_242 = tpu.memref_slice %arg6[%add3A_211, %dma_start3A_241] : memref<65536x128xf32, #tpu.memory_space<hbm>> -> memref<128x64xf32, #tpu.memory_space<hbm>>
        %dma_start3A_243 = arith.constant 64 : i32
        %dma_start3A_244 = tpu.memref_slice %arg6[%add3A_211, %dma_start3A_243] : memref<65536x128xf32, #tpu.memory_space<hbm>> -> memref<128x64xf32, #tpu.memory_space<hbm>>
        %dma_start3A_245 = arith.constant 0 : i32
        %dma_start3A_246 = arith.constant 0 : i32
        %dma_start3A_247 = tpu.memref_slice %arg10[%run_scoped3A_235, %dma_start3A_245, %dma_start3A_246] : memref<4x128x64xf32, #tpu.memory_space<vmem>> -> memref<1x128x64xf32, #tpu.memory_space<vmem>>
        %dma_start3A_248 = tpu.memref_squeeze %dma_start3A_247 : memref<1x128x64xf32, #tpu.memory_space<vmem>> -> memref<128x64xf32, #tpu.memory_space<vmem>>
        tpu.enqueue_dma source(%dma_start3A_248 : memref<128x64xf32, #tpu.memory_space<vmem>>) target(%dma_start3A_244 : memref<128x64xf32, #tpu.memory_space<hbm>>) target_semaphore(%run_scoped3A_236 : memref<!tpu.dma_semaphore, #tpu.memory_space<semaphore_mem>>)
        %dma_wait3A_249 = arith.constant 0 : i32
        %dma_wait3A_250 = arith.constant 0 : i32
        %dma_wait3A_251 = tpu.memref_slice %arg10[%run_scoped3A_235, %dma_wait3A_249, %dma_wait3A_250] : memref<4x128x64xf32, #tpu.memory_space<vmem>> -> memref<1x128x64xf32, #tpu.memory_space<vmem>>
        %dma_wait3A_252 = tpu.memref_squeeze %dma_wait3A_251 : memref<1x128x64xf32, #tpu.memory_space<vmem>> -> memref<128x64xf32, #tpu.memory_space<vmem>>
        %dma_wait3A_253 = arith.constant 64 : i32
        %dma_wait3A_254 = tpu.memref_slice %arg6[%add3A_211, %dma_wait3A_253] : memref<65536x128xf32, #tpu.memory_space<hbm>> -> memref<128x64xf32, #tpu.memory_space<hbm>>
        %dma_wait3A_255 = arith.constant 64 : i32
        %dma_wait3A_256 = tpu.memref_slice %arg6[%add3A_211, %dma_wait3A_255] : memref<65536x128xf32, #tpu.memory_space<hbm>> -> memref<128x64xf32, #tpu.memory_space<hbm>>
        %dma_wait3A_257 = arith.constant 0 : i32
        %dma_wait3A_258 = arith.constant 0 : i32
        %dma_wait3A_259 = tpu.memref_slice %arg10[%run_scoped3A_235, %dma_wait3A_257, %dma_wait3A_258] : memref<4x128x64xf32, #tpu.memory_space<vmem>> -> memref<1x128x64xf32, #tpu.memory_space<vmem>>
        %dma_wait3A_260 = tpu.memref_squeeze %dma_wait3A_259 : memref<1x128x64xf32, #tpu.memory_space<vmem>> -> memref<128x64xf32, #tpu.memory_space<vmem>>
        tpu.wait_dma2 semaphore(%run_scoped3A_236 : memref<!tpu.dma_semaphore, #tpu.memory_space<semaphore_mem>>) src(%dma_wait3A_260 : memref<128x64xf32, #tpu.memory_space<vmem>>) dst(%dma_wait3A_256 : memref<128x64xf32, #tpu.memory_space<hbm>>)
        tpu.yield
      }) : () -> ()
    }
    %scan3A_9 = arith.constant 4 : i32
    return
  }
}

module attributes {stable_mosaic.version = 14 : i64} {
  func.func @_attn_body(%arg0: memref<8192x64xf32, #tpu.memory_space<vmem>>, %arg1: memref<8x64xf32, #tpu.memory_space<vmem>>, %arg2: memref<64x64xf32, #tpu.memory_space<vmem>>, %arg3: memref<1x64xf32, #tpu.memory_space<vmem>>, %arg4: memref<64x64xf32, #tpu.memory_space<vmem>>, %arg5: memref<64x64xf32, #tpu.memory_space<vmem>>, %arg6: memref<1x64xf32, #tpu.memory_space<vmem>>, %arg7: memref<1x64xf32, #tpu.memory_space<vmem>>, %arg8: memref<64x64xf32, #tpu.memory_space<vmem>>, %arg9: memref<1x64xf32, #tpu.memory_space<vmem>>, %arg10: memref<8x64xf32, #tpu.memory_space<vmem>>) attributes {dimension_semantics = [], scalar_prefetch = 0 : i64, scratch_operands = 0 : i64, tpu.core_type = #tpu.core_type<tc>} {
    %get3A = arith.constant 0 : index
    %get3A_0 = arith.constant 0 : index
    %get3A_1 = vector.load %arg0[%get3A, %get3A_0] : memref<8192x64xf32, #tpu.memory_space<vmem>>, vector<8192x64xf32>
    %get3A_2 = arith.constant 0 : index
    %get3A_3 = arith.constant 0 : index
    %get3A_4 = vector.load %arg4[%get3A_2, %get3A_3] : memref<64x64xf32, #tpu.memory_space<vmem>>, vector<64x64xf32>
    %dot_general3A = arith.constant dense<0.000000e+00> : vector<8192x64xf32>
    %dot_general3A_5 = tpu.matmul %get3A_1, %get3A_4, %dot_general3A {dimension_numbers = #tpu.dot_dimension_numbers<[1], [0], [0], [1], [0, 0, 1, 1], [], []>, transpose_lhs_hint = false} : vector<8192x64xf32>, vector<64x64xf32>, vector<8192x64xf32> -> vector<8192x64xf32>
    %get3A_6 = arith.constant 0 : index
    %get3A_7 = arith.constant 0 : index
    %get3A_8 = vector.load %arg6[%get3A_6, %get3A_7] : memref<1x64xf32, #tpu.memory_space<vmem>>, vector<1x64xf32>
    %add3A = vector.broadcast %get3A_8 : vector<1x64xf32> to vector<8192x64xf32>
    %add3A_9 = arith.addf %dot_general3A_5, %add3A : vector<8192x64xf32>
    %get3A_10 = arith.constant 0 : index
    %get3A_11 = arith.constant 0 : index
    %get3A_12 = vector.load %arg5[%get3A_10, %get3A_11] : memref<64x64xf32, #tpu.memory_space<vmem>>, vector<64x64xf32>
    %dot_general3A_13 = arith.constant dense<0.000000e+00> : vector<8192x64xf32>
    %dot_general3A_14 = tpu.matmul %get3A_1, %get3A_12, %dot_general3A_13 {dimension_numbers = #tpu.dot_dimension_numbers<[1], [0], [0], [1], [0, 0, 1, 1], [], []>, transpose_lhs_hint = false} : vector<8192x64xf32>, vector<64x64xf32>, vector<8192x64xf32> -> vector<8192x64xf32>
    %get3A_15 = arith.constant 0 : index
    %get3A_16 = arith.constant 0 : index
    %get3A_17 = vector.load %arg7[%get3A_15, %get3A_16] : memref<1x64xf32, #tpu.memory_space<vmem>>, vector<1x64xf32>
    %add3A_18 = vector.broadcast %get3A_17 : vector<1x64xf32> to vector<8192x64xf32>
    %add3A_19 = arith.addf %dot_general3A_14, %add3A_18 : vector<8192x64xf32>
    %get3A_20 = arith.constant 0 : index
    %get3A_21 = arith.constant 0 : index
    %get3A_22 = vector.load %arg1[%get3A_20, %get3A_21] : memref<8x64xf32, #tpu.memory_space<vmem>>, vector<8x64xf32>
    %get3A_23 = arith.constant 0 : index
    %get3A_24 = arith.constant 0 : index
    %get3A_25 = vector.load %arg2[%get3A_23, %get3A_24] : memref<64x64xf32, #tpu.memory_space<vmem>>, vector<64x64xf32>
    %dot_general3A_26 = arith.constant dense<0.000000e+00> : vector<8x64xf32>
    %dot_general3A_27 = tpu.matmul %get3A_22, %get3A_25, %dot_general3A_26 {dimension_numbers = #tpu.dot_dimension_numbers<[1], [0], [0], [1], [0, 0, 1, 1], [], []>, transpose_lhs_hint = false} : vector<8x64xf32>, vector<64x64xf32>, vector<8x64xf32> -> vector<8x64xf32>
    %get3A_28 = arith.constant 0 : index
    %get3A_29 = arith.constant 0 : index
    %get3A_30 = vector.load %arg3[%get3A_28, %get3A_29] : memref<1x64xf32, #tpu.memory_space<vmem>>, vector<1x64xf32>
    %add3A_31 = vector.broadcast %get3A_30 : vector<1x64xf32> to vector<8x64xf32>
    %add3A_32 = arith.addf %dot_general3A_27, %add3A_31 : vector<8x64xf32>
    %reshape3A = vector.shape_cast %add3A_9 : vector<8192x64xf32> to vector<8x1024x64xf32>
    %broadcast_in_dim3A = vector.shape_cast %add3A_32 : vector<8x64xf32> to vector<8x1x64xf32>
    %mul3A = vector.broadcast %broadcast_in_dim3A : vector<8x1x64xf32> to vector<8x1024x64xf32>
    %mul3A_33 = arith.mulf %mul3A, %reshape3A : vector<8x1024x64xf32>
    %reduce_sum3A = arith.constant dense<0.000000e+00> : vector<8x1024xf32>
    %reduce_sum3A_34 = vector.multi_reduction <add>, %mul3A_33, %reduce_sum3A [2] : vector<8x1024x64xf32> to vector<8x1024xf32>
    %mul3A_35 = arith.constant 1.250000e-01 : f32
    %mul3A_36 = vector.broadcast %mul3A_35 : f32 to vector<8x1024xf32>
    %mul3A_37 = arith.mulf %reduce_sum3A_34, %mul3A_36 : vector<8x1024xf32>
    %reduce_max3A = arith.constant dense<0xFF800000> : vector<8xf32>
    %reduce_max3A_38 = vector.multi_reduction <maximumf>, %mul3A_37, %reduce_max3A [1] : vector<8x1024xf32> to vector<8xf32>
    %broadcast_in_dim3A_39 = vector.shape_cast %reduce_max3A_38 : vector<8xf32> to vector<8x1xf32>
    %sub3A = vector.broadcast %broadcast_in_dim3A_39 : vector<8x1xf32> to vector<8x1024xf32>
    %sub3A_40 = arith.subf %mul3A_37, %sub3A : vector<8x1024xf32>
    %exp3A = math.exp %sub3A_40 : vector<8x1024xf32>
    %reduce_sum3A_41 = arith.constant dense<0.000000e+00> : vector<8xf32>
    %reduce_sum3A_42 = vector.multi_reduction <add>, %exp3A, %reduce_sum3A_41 [1] : vector<8x1024xf32> to vector<8xf32>
    %broadcast_in_dim3A_43 = vector.shape_cast %reduce_sum3A_42 : vector<8xf32> to vector<8x1xf32>
    %div3A = vector.broadcast %broadcast_in_dim3A_43 : vector<8x1xf32> to vector<8x1024xf32>
    %div3A_44 = arith.divf %exp3A, %div3A : vector<8x1024xf32>
    %broadcast_in_dim3A_45 = vector.shape_cast %div3A_44 : vector<8x1024xf32> to vector<8x1024x1xf32>
    %reshape3A_46 = vector.shape_cast %add3A_19 : vector<8192x64xf32> to vector<8x1024x64xf32>
    %mul3A_47 = vector.broadcast %broadcast_in_dim3A_45 : vector<8x1024x1xf32> to vector<8x1024x64xf32>
    %mul3A_48 = arith.mulf %mul3A_47, %reshape3A_46 : vector<8x1024x64xf32>
    %reduce_sum3A_49 = arith.constant dense<0.000000e+00> : vector<8x64xf32>
    %reduce_sum3A_50 = vector.multi_reduction <add>, %mul3A_48, %reduce_sum3A_49 [1] : vector<8x1024x64xf32> to vector<8x64xf32>
    %get3A_51 = arith.constant 0 : index
    %get3A_52 = arith.constant 0 : index
    %get3A_53 = vector.load %arg8[%get3A_51, %get3A_52] : memref<64x64xf32, #tpu.memory_space<vmem>>, vector<64x64xf32>
    %dot_general3A_54 = arith.constant dense<0.000000e+00> : vector<8x64xf32>
    %dot_general3A_55 = tpu.matmul %reduce_sum3A_50, %get3A_53, %dot_general3A_54 {dimension_numbers = #tpu.dot_dimension_numbers<[1], [0], [0], [1], [0, 0, 1, 1], [], []>, transpose_lhs_hint = false} : vector<8x64xf32>, vector<64x64xf32>, vector<8x64xf32> -> vector<8x64xf32>
    %get3A_56 = arith.constant 0 : index
    %get3A_57 = arith.constant 0 : index
    %get3A_58 = vector.load %arg9[%get3A_56, %get3A_57] : memref<1x64xf32, #tpu.memory_space<vmem>>, vector<1x64xf32>
    %add3A_59 = vector.broadcast %get3A_58 : vector<1x64xf32> to vector<8x64xf32>
    %add3A_60 = arith.addf %dot_general3A_55, %add3A_59 : vector<8x64xf32>
    %swap3A = arith.constant 0 : index
    %swap3A_61 = arith.constant 0 : index
    %swap3A_62 = vector.load %arg10[%swap3A, %swap3A_61] : memref<8x64xf32, #tpu.memory_space<vmem>>, vector<8x64xf32>
    tpu.vector_store %arg10[%swap3A, %swap3A_61], %add3A_60 {strides = array<i32>} : memref<8x64xf32, #tpu.memory_space<vmem>>, vector<8x64xf32>,
    return
  }
}

module attributes {stable_mosaic.version = 14 : i64} {
  func.func @_lstm_body(%arg0: i32, %arg1: memref<8x2048x128xf32, #tpu.memory_space<vmem>>, %arg2: memref<128x256xbf16, #tpu.memory_space<vmem>>, %arg3: memref<64x256xbf16, #tpu.memory_space<vmem>>, %arg4: memref<1x256xf32, #tpu.memory_space<vmem>>, %arg5: memref<2048x64xf32, #tpu.memory_space<vmem>>) attributes {dimension_semantics = [#tpu.dimension_semantics<arbitrary>], iteration_bounds = array<i64: 4>, scalar_prefetch = 0 : i64, scratch_operands = 0 : i64, tpu.core_type = #tpu.core_type<tc>, window_params = [{transform_indices = @transform_0, window_bounds = array<i64: 8, 2048, 128>}, {pipeline_mode = #tpu.pipeline_mode<synchronous>, transform_indices = @transform_1, window_bounds = array<i64: 128, 256>}, {pipeline_mode = #tpu.pipeline_mode<synchronous>, transform_indices = @transform_2, window_bounds = array<i64: 64, 256>}, {pipeline_mode = #tpu.pipeline_mode<synchronous>, transform_indices = @transform_3, window_bounds = array<i64: 1, 256>}, {transform_indices = @transform_4, window_bounds = array<i64: 2048, 64>}]} {
    %get3A = arith.constant 0 : index
    %get3A_0 = arith.constant 0 : index
    %get3A_1 = arith.constant 0 : index
    %get3A_2 = vector.load %arg1[%get3A, %get3A_0, %get3A_1] : memref<8x2048x128xf32, #tpu.memory_space<vmem>>, vector<8x2048x128xf32>
    %reshape3A = vector.shape_cast %get3A_2 : vector<8x2048x128xf32> to vector<16384x128xf32>
    %convert_element_type3A = arith.truncf %reshape3A : vector<16384x128xf32> to vector<16384x128xbf16>
    %get3A_3 = arith.constant 0 : index
    %get3A_4 = arith.constant 0 : index
    %get3A_5 = vector.load %arg2[%get3A_3, %get3A_4] : memref<128x256xbf16, #tpu.memory_space<vmem>>, vector<128x256xbf16>
    %dot_general3A = arith.constant dense<0.000000e+00> : vector<16384x256xf32>
    %dot_general3A_6 = tpu.matmul %convert_element_type3A, %get3A_5, %dot_general3A {dimension_numbers = #tpu.dot_dimension_numbers<[1], [0], [0], [1], [0, 0, 1, 1], [], []>, transpose_lhs_hint = false} : vector<16384x128xbf16>, vector<128x256xbf16>, vector<16384x256xf32> -> vector<16384x256xf32>
    %get3A_7 = arith.constant 0 : index
    %get3A_8 = arith.constant 0 : index
    %get3A_9 = vector.load %arg4[%get3A_7, %get3A_8] : memref<1x256xf32, #tpu.memory_space<vmem>>, vector<1x256xf32>
    %add3A = vector.broadcast %get3A_9 : vector<1x256xf32> to vector<16384x256xf32>
    %add3A_10 = arith.addf %dot_general3A_6, %add3A : vector<16384x256xf32>
    %get3A_11 = arith.constant 0 : index
    %get3A_12 = arith.constant 0 : index
    %get3A_13 = vector.load %arg3[%get3A_11, %get3A_12] : memref<64x256xbf16, #tpu.memory_space<vmem>>, vector<64x256xbf16>
    %broadcast_in_dim3A = arith.constant 0.000000e+00 : f32
    %broadcast_in_dim3A_14 = vector.broadcast %broadcast_in_dim3A : f32 to vector<2048x64xf32>
    %broadcast_in_dim3A_15 = arith.constant 0.000000e+00 : f32
    %broadcast_in_dim3A_16 = vector.broadcast %broadcast_in_dim3A_15 : f32 to vector<2048x64xf32>
    %slice3A = vector.extract_strided_slice %add3A_10 {offsets = [0, 0], sizes = [2048, 256], strides = [1, 1]} : vector<16384x256xf32> to vector<2048x256xf32>
    %convert_element_type3A_17 = arith.truncf %broadcast_in_dim3A_14 : vector<2048x64xf32> to vector<2048x64xbf16>
    %dot_general3A_18 = arith.constant dense<0.000000e+00> : vector<2048x256xf32>
    %dot_general3A_19 = tpu.matmul %convert_element_type3A_17, %get3A_13, %dot_general3A_18 {dimension_numbers = #tpu.dot_dimension_numbers<[1], [0], [0], [1], [0, 0, 1, 1], [], []>, transpose_lhs_hint = false} : vector<2048x64xbf16>, vector<64x256xbf16>, vector<2048x256xf32> -> vector<2048x256xf32>
    %add3A_20 = arith.addf %slice3A, %dot_general3A_19 : vector<2048x256xf32>
    %slice3A_21 = vector.extract_strided_slice %add3A_20 {offsets = [0, 0], sizes = [2048, 64], strides = [1, 1]} : vector<2048x256xf32> to vector<2048x64xf32>
    %logistic3A = arith.negf %slice3A_21 : vector<2048x64xf32>
    %logistic3A_22 = math.exp %logistic3A : vector<2048x64xf32>
    %logistic3A_23 = arith.constant 1.000000e+00 : f32
    %logistic3A_24 = vector.broadcast %logistic3A_23 : f32 to vector<2048x64xf32>
    %logistic3A_25 = arith.addf %logistic3A_24, %logistic3A_22 : vector<2048x64xf32>
    %logistic3A_26 = arith.divf %logistic3A_24, %logistic3A_25 : vector<2048x64xf32>
    %slice3A_27 = vector.extract_strided_slice %add3A_20 {offsets = [0, 64], sizes = [2048, 64], strides = [1, 1]} : vector<2048x256xf32> to vector<2048x64xf32>
    %logistic3A_28 = arith.negf %slice3A_27 : vector<2048x64xf32>
    %logistic3A_29 = math.exp %logistic3A_28 : vector<2048x64xf32>
    %logistic3A_30 = arith.constant 1.000000e+00 : f32
    %logistic3A_31 = vector.broadcast %logistic3A_30 : f32 to vector<2048x64xf32>
    %logistic3A_32 = arith.addf %logistic3A_31, %logistic3A_29 : vector<2048x64xf32>
    %logistic3A_33 = arith.divf %logistic3A_31, %logistic3A_32 : vector<2048x64xf32>
    %slice3A_34 = vector.extract_strided_slice %add3A_20 {offsets = [0, 128], sizes = [2048, 64], strides = [1, 1]} : vector<2048x256xf32> to vector<2048x64xf32>
    %tanh3A = math.tanh %slice3A_34 : vector<2048x64xf32>
    %slice3A_35 = vector.extract_strided_slice %add3A_20 {offsets = [0, 192], sizes = [2048, 64], strides = [1, 1]} : vector<2048x256xf32> to vector<2048x64xf32>
    %logistic3A_36 = arith.negf %slice3A_35 : vector<2048x64xf32>
    %logistic3A_37 = math.exp %logistic3A_36 : vector<2048x64xf32>
    %logistic3A_38 = arith.constant 1.000000e+00 : f32
    %logistic3A_39 = vector.broadcast %logistic3A_38 : f32 to vector<2048x64xf32>
    %logistic3A_40 = arith.addf %logistic3A_39, %logistic3A_37 : vector<2048x64xf32>
    %logistic3A_41 = arith.divf %logistic3A_39, %logistic3A_40 : vector<2048x64xf32>
    %mul3A = arith.mulf %logistic3A_33, %broadcast_in_dim3A_16 : vector<2048x64xf32>
    %mul3A_42 = arith.mulf %logistic3A_26, %tanh3A : vector<2048x64xf32>
    %add3A_43 = arith.addf %mul3A, %mul3A_42 : vector<2048x64xf32>
    %tanh3A_44 = math.tanh %add3A_43 : vector<2048x64xf32>
    %mul3A_45 = arith.mulf %logistic3A_41, %tanh3A_44 : vector<2048x64xf32>
    %slice3A_46 = vector.extract_strided_slice %add3A_10 {offsets = [2048, 0], sizes = [2048, 256], strides = [1, 1]} : vector<16384x256xf32> to vector<2048x256xf32>
    %convert_element_type3A_47 = arith.truncf %mul3A_45 : vector<2048x64xf32> to vector<2048x64xbf16>
    %dot_general3A_48 = arith.constant dense<0.000000e+00> : vector<2048x256xf32>
    %dot_general3A_49 = tpu.matmul %convert_element_type3A_47, %get3A_13, %dot_general3A_48 {dimension_numbers = #tpu.dot_dimension_numbers<[1], [0], [0], [1], [0, 0, 1, 1], [], []>, transpose_lhs_hint = false} : vector<2048x64xbf16>, vector<64x256xbf16>, vector<2048x256xf32> -> vector<2048x256xf32>
    %add3A_50 = arith.addf %slice3A_46, %dot_general3A_49 : vector<2048x256xf32>
    %slice3A_51 = vector.extract_strided_slice %add3A_50 {offsets = [0, 0], sizes = [2048, 64], strides = [1, 1]} : vector<2048x256xf32> to vector<2048x64xf32>
    %logistic3A_52 = arith.negf %slice3A_51 : vector<2048x64xf32>
    %logistic3A_53 = math.exp %logistic3A_52 : vector<2048x64xf32>
    %logistic3A_54 = arith.constant 1.000000e+00 : f32
    %logistic3A_55 = vector.broadcast %logistic3A_54 : f32 to vector<2048x64xf32>
    %logistic3A_56 = arith.addf %logistic3A_55, %logistic3A_53 : vector<2048x64xf32>
    %logistic3A_57 = arith.divf %logistic3A_55, %logistic3A_56 : vector<2048x64xf32>
    %slice3A_58 = vector.extract_strided_slice %add3A_50 {offsets = [0, 64], sizes = [2048, 64], strides = [1, 1]} : vector<2048x256xf32> to vector<2048x64xf32>
    %logistic3A_59 = arith.negf %slice3A_58 : vector<2048x64xf32>
    %logistic3A_60 = math.exp %logistic3A_59 : vector<2048x64xf32>
    %logistic3A_61 = arith.constant 1.000000e+00 : f32
    %logistic3A_62 = vector.broadcast %logistic3A_61 : f32 to vector<2048x64xf32>
    %logistic3A_63 = arith.addf %logistic3A_62, %logistic3A_60 : vector<2048x64xf32>
    %logistic3A_64 = arith.divf %logistic3A_62, %logistic3A_63 : vector<2048x64xf32>
    %slice3A_65 = vector.extract_strided_slice %add3A_50 {offsets = [0, 128], sizes = [2048, 64], strides = [1, 1]} : vector<2048x256xf32> to vector<2048x64xf32>
    %tanh3A_66 = math.tanh %slice3A_65 : vector<2048x64xf32>
    %slice3A_67 = vector.extract_strided_slice %add3A_50 {offsets = [0, 192], sizes = [2048, 64], strides = [1, 1]} : vector<2048x256xf32> to vector<2048x64xf32>
    %logistic3A_68 = arith.negf %slice3A_67 : vector<2048x64xf32>
    %logistic3A_69 = math.exp %logistic3A_68 : vector<2048x64xf32>
    %logistic3A_70 = arith.constant 1.000000e+00 : f32
    %logistic3A_71 = vector.broadcast %logistic3A_70 : f32 to vector<2048x64xf32>
    %logistic3A_72 = arith.addf %logistic3A_71, %logistic3A_69 : vector<2048x64xf32>
    %logistic3A_73 = arith.divf %logistic3A_71, %logistic3A_72 : vector<2048x64xf32>
    %mul3A_74 = arith.mulf %logistic3A_64, %add3A_43 : vector<2048x64xf32>
    %mul3A_75 = arith.mulf %logistic3A_57, %tanh3A_66 : vector<2048x64xf32>
    %add3A_76 = arith.addf %mul3A_74, %mul3A_75 : vector<2048x64xf32>
    %tanh3A_77 = math.tanh %add3A_76 : vector<2048x64xf32>
    %mul3A_78 = arith.mulf %logistic3A_73, %tanh3A_77 : vector<2048x64xf32>
    %slice3A_79 = vector.extract_strided_slice %add3A_10 {offsets = [4096, 0], sizes = [2048, 256], strides = [1, 1]} : vector<16384x256xf32> to vector<2048x256xf32>
    %convert_element_type3A_80 = arith.truncf %mul3A_78 : vector<2048x64xf32> to vector<2048x64xbf16>
    %dot_general3A_81 = arith.constant dense<0.000000e+00> : vector<2048x256xf32>
    %dot_general3A_82 = tpu.matmul %convert_element_type3A_80, %get3A_13, %dot_general3A_81 {dimension_numbers = #tpu.dot_dimension_numbers<[1], [0], [0], [1], [0, 0, 1, 1], [], []>, transpose_lhs_hint = false} : vector<2048x64xbf16>, vector<64x256xbf16>, vector<2048x256xf32> -> vector<2048x256xf32>
    %add3A_83 = arith.addf %slice3A_79, %dot_general3A_82 : vector<2048x256xf32>
    %slice3A_84 = vector.extract_strided_slice %add3A_83 {offsets = [0, 0], sizes = [2048, 64], strides = [1, 1]} : vector<2048x256xf32> to vector<2048x64xf32>
    %logistic3A_85 = arith.negf %slice3A_84 : vector<2048x64xf32>
    %logistic3A_86 = math.exp %logistic3A_85 : vector<2048x64xf32>
    %logistic3A_87 = arith.constant 1.000000e+00 : f32
    %logistic3A_88 = vector.broadcast %logistic3A_87 : f32 to vector<2048x64xf32>
    %logistic3A_89 = arith.addf %logistic3A_88, %logistic3A_86 : vector<2048x64xf32>
    %logistic3A_90 = arith.divf %logistic3A_88, %logistic3A_89 : vector<2048x64xf32>
    %slice3A_91 = vector.extract_strided_slice %add3A_83 {offsets = [0, 64], sizes = [2048, 64], strides = [1, 1]} : vector<2048x256xf32> to vector<2048x64xf32>
    %logistic3A_92 = arith.negf %slice3A_91 : vector<2048x64xf32>
    %logistic3A_93 = math.exp %logistic3A_92 : vector<2048x64xf32>
    %logistic3A_94 = arith.constant 1.000000e+00 : f32
    %logistic3A_95 = vector.broadcast %logistic3A_94 : f32 to vector<2048x64xf32>
    %logistic3A_96 = arith.addf %logistic3A_95, %logistic3A_93 : vector<2048x64xf32>
    %logistic3A_97 = arith.divf %logistic3A_95, %logistic3A_96 : vector<2048x64xf32>
    %slice3A_98 = vector.extract_strided_slice %add3A_83 {offsets = [0, 128], sizes = [2048, 64], strides = [1, 1]} : vector<2048x256xf32> to vector<2048x64xf32>
    %tanh3A_99 = math.tanh %slice3A_98 : vector<2048x64xf32>
    %slice3A_100 = vector.extract_strided_slice %add3A_83 {offsets = [0, 192], sizes = [2048, 64], strides = [1, 1]} : vector<2048x256xf32> to vector<2048x64xf32>
    %logistic3A_101 = arith.negf %slice3A_100 : vector<2048x64xf32>
    %logistic3A_102 = math.exp %logistic3A_101 : vector<2048x64xf32>
    %logistic3A_103 = arith.constant 1.000000e+00 : f32
    %logistic3A_104 = vector.broadcast %logistic3A_103 : f32 to vector<2048x64xf32>
    %logistic3A_105 = arith.addf %logistic3A_104, %logistic3A_102 : vector<2048x64xf32>
    %logistic3A_106 = arith.divf %logistic3A_104, %logistic3A_105 : vector<2048x64xf32>
    %mul3A_107 = arith.mulf %logistic3A_97, %add3A_76 : vector<2048x64xf32>
    %mul3A_108 = arith.mulf %logistic3A_90, %tanh3A_99 : vector<2048x64xf32>
    %add3A_109 = arith.addf %mul3A_107, %mul3A_108 : vector<2048x64xf32>
    %tanh3A_110 = math.tanh %add3A_109 : vector<2048x64xf32>
    %mul3A_111 = arith.mulf %logistic3A_106, %tanh3A_110 : vector<2048x64xf32>
    %slice3A_112 = vector.extract_strided_slice %add3A_10 {offsets = [6144, 0], sizes = [2048, 256], strides = [1, 1]} : vector<16384x256xf32> to vector<2048x256xf32>
    %convert_element_type3A_113 = arith.truncf %mul3A_111 : vector<2048x64xf32> to vector<2048x64xbf16>
    %dot_general3A_114 = arith.constant dense<0.000000e+00> : vector<2048x256xf32>
    %dot_general3A_115 = tpu.matmul %convert_element_type3A_113, %get3A_13, %dot_general3A_114 {dimension_numbers = #tpu.dot_dimension_numbers<[1], [0], [0], [1], [0, 0, 1, 1], [], []>, transpose_lhs_hint = false} : vector<2048x64xbf16>, vector<64x256xbf16>, vector<2048x256xf32> -> vector<2048x256xf32>
    %add3A_116 = arith.addf %slice3A_112, %dot_general3A_115 : vector<2048x256xf32>
    %slice3A_117 = vector.extract_strided_slice %add3A_116 {offsets = [0, 0], sizes = [2048, 64], strides = [1, 1]} : vector<2048x256xf32> to vector<2048x64xf32>
    %logistic3A_118 = arith.negf %slice3A_117 : vector<2048x64xf32>
    %logistic3A_119 = math.exp %logistic3A_118 : vector<2048x64xf32>
    %logistic3A_120 = arith.constant 1.000000e+00 : f32
    %logistic3A_121 = vector.broadcast %logistic3A_120 : f32 to vector<2048x64xf32>
    %logistic3A_122 = arith.addf %logistic3A_121, %logistic3A_119 : vector<2048x64xf32>
    %logistic3A_123 = arith.divf %logistic3A_121, %logistic3A_122 : vector<2048x64xf32>
    %slice3A_124 = vector.extract_strided_slice %add3A_116 {offsets = [0, 64], sizes = [2048, 64], strides = [1, 1]} : vector<2048x256xf32> to vector<2048x64xf32>
    %logistic3A_125 = arith.negf %slice3A_124 : vector<2048x64xf32>
    %logistic3A_126 = math.exp %logistic3A_125 : vector<2048x64xf32>
    %logistic3A_127 = arith.constant 1.000000e+00 : f32
    %logistic3A_128 = vector.broadcast %logistic3A_127 : f32 to vector<2048x64xf32>
    %logistic3A_129 = arith.addf %logistic3A_128, %logistic3A_126 : vector<2048x64xf32>
    %logistic3A_130 = arith.divf %logistic3A_128, %logistic3A_129 : vector<2048x64xf32>
    %slice3A_131 = vector.extract_strided_slice %add3A_116 {offsets = [0, 128], sizes = [2048, 64], strides = [1, 1]} : vector<2048x256xf32> to vector<2048x64xf32>
    %tanh3A_132 = math.tanh %slice3A_131 : vector<2048x64xf32>
    %slice3A_133 = vector.extract_strided_slice %add3A_116 {offsets = [0, 192], sizes = [2048, 64], strides = [1, 1]} : vector<2048x256xf32> to vector<2048x64xf32>
    %logistic3A_134 = arith.negf %slice3A_133 : vector<2048x64xf32>
    %logistic3A_135 = math.exp %logistic3A_134 : vector<2048x64xf32>
    %logistic3A_136 = arith.constant 1.000000e+00 : f32
    %logistic3A_137 = vector.broadcast %logistic3A_136 : f32 to vector<2048x64xf32>
    %logistic3A_138 = arith.addf %logistic3A_137, %logistic3A_135 : vector<2048x64xf32>
    %logistic3A_139 = arith.divf %logistic3A_137, %logistic3A_138 : vector<2048x64xf32>
    %mul3A_140 = arith.mulf %logistic3A_130, %add3A_109 : vector<2048x64xf32>
    %mul3A_141 = arith.mulf %logistic3A_123, %tanh3A_132 : vector<2048x64xf32>
    %add3A_142 = arith.addf %mul3A_140, %mul3A_141 : vector<2048x64xf32>
    %tanh3A_143 = math.tanh %add3A_142 : vector<2048x64xf32>
    %mul3A_144 = arith.mulf %logistic3A_139, %tanh3A_143 : vector<2048x64xf32>
    %slice3A_145 = vector.extract_strided_slice %add3A_10 {offsets = [8192, 0], sizes = [2048, 256], strides = [1, 1]} : vector<16384x256xf32> to vector<2048x256xf32>
    %convert_element_type3A_146 = arith.truncf %mul3A_144 : vector<2048x64xf32> to vector<2048x64xbf16>
    %dot_general3A_147 = arith.constant dense<0.000000e+00> : vector<2048x256xf32>
    %dot_general3A_148 = tpu.matmul %convert_element_type3A_146, %get3A_13, %dot_general3A_147 {dimension_numbers = #tpu.dot_dimension_numbers<[1], [0], [0], [1], [0, 0, 1, 1], [], []>, transpose_lhs_hint = false} : vector<2048x64xbf16>, vector<64x256xbf16>, vector<2048x256xf32> -> vector<2048x256xf32>
    %add3A_149 = arith.addf %slice3A_145, %dot_general3A_148 : vector<2048x256xf32>
    %slice3A_150 = vector.extract_strided_slice %add3A_149 {offsets = [0, 0], sizes = [2048, 64], strides = [1, 1]} : vector<2048x256xf32> to vector<2048x64xf32>
    %logistic3A_151 = arith.negf %slice3A_150 : vector<2048x64xf32>
    %logistic3A_152 = math.exp %logistic3A_151 : vector<2048x64xf32>
    %logistic3A_153 = arith.constant 1.000000e+00 : f32
    %logistic3A_154 = vector.broadcast %logistic3A_153 : f32 to vector<2048x64xf32>
    %logistic3A_155 = arith.addf %logistic3A_154, %logistic3A_152 : vector<2048x64xf32>
    %logistic3A_156 = arith.divf %logistic3A_154, %logistic3A_155 : vector<2048x64xf32>
    %slice3A_157 = vector.extract_strided_slice %add3A_149 {offsets = [0, 64], sizes = [2048, 64], strides = [1, 1]} : vector<2048x256xf32> to vector<2048x64xf32>
    %logistic3A_158 = arith.negf %slice3A_157 : vector<2048x64xf32>
    %logistic3A_159 = math.exp %logistic3A_158 : vector<2048x64xf32>
    %logistic3A_160 = arith.constant 1.000000e+00 : f32
    %logistic3A_161 = vector.broadcast %logistic3A_160 : f32 to vector<2048x64xf32>
    %logistic3A_162 = arith.addf %logistic3A_161, %logistic3A_159 : vector<2048x64xf32>
    %logistic3A_163 = arith.divf %logistic3A_161, %logistic3A_162 : vector<2048x64xf32>
    %slice3A_164 = vector.extract_strided_slice %add3A_149 {offsets = [0, 128], sizes = [2048, 64], strides = [1, 1]} : vector<2048x256xf32> to vector<2048x64xf32>
    %tanh3A_165 = math.tanh %slice3A_164 : vector<2048x64xf32>
    %slice3A_166 = vector.extract_strided_slice %add3A_149 {offsets = [0, 192], sizes = [2048, 64], strides = [1, 1]} : vector<2048x256xf32> to vector<2048x64xf32>
    %logistic3A_167 = arith.negf %slice3A_166 : vector<2048x64xf32>
    %logistic3A_168 = math.exp %logistic3A_167 : vector<2048x64xf32>
    %logistic3A_169 = arith.constant 1.000000e+00 : f32
    %logistic3A_170 = vector.broadcast %logistic3A_169 : f32 to vector<2048x64xf32>
    %logistic3A_171 = arith.addf %logistic3A_170, %logistic3A_168 : vector<2048x64xf32>
    %logistic3A_172 = arith.divf %logistic3A_170, %logistic3A_171 : vector<2048x64xf32>
    %mul3A_173 = arith.mulf %logistic3A_163, %add3A_142 : vector<2048x64xf32>
    %mul3A_174 = arith.mulf %logistic3A_156, %tanh3A_165 : vector<2048x64xf32>
    %add3A_175 = arith.addf %mul3A_173, %mul3A_174 : vector<2048x64xf32>
    %tanh3A_176 = math.tanh %add3A_175 : vector<2048x64xf32>
    %mul3A_177 = arith.mulf %logistic3A_172, %tanh3A_176 : vector<2048x64xf32>
    %slice3A_178 = vector.extract_strided_slice %add3A_10 {offsets = [10240, 0], sizes = [2048, 256], strides = [1, 1]} : vector<16384x256xf32> to vector<2048x256xf32>
    %convert_element_type3A_179 = arith.truncf %mul3A_177 : vector<2048x64xf32> to vector<2048x64xbf16>
    %dot_general3A_180 = arith.constant dense<0.000000e+00> : vector<2048x256xf32>
    %dot_general3A_181 = tpu.matmul %convert_element_type3A_179, %get3A_13, %dot_general3A_180 {dimension_numbers = #tpu.dot_dimension_numbers<[1], [0], [0], [1], [0, 0, 1, 1], [], []>, transpose_lhs_hint = false} : vector<2048x64xbf16>, vector<64x256xbf16>, vector<2048x256xf32> -> vector<2048x256xf32>
    %add3A_182 = arith.addf %slice3A_178, %dot_general3A_181 : vector<2048x256xf32>
    %slice3A_183 = vector.extract_strided_slice %add3A_182 {offsets = [0, 0], sizes = [2048, 64], strides = [1, 1]} : vector<2048x256xf32> to vector<2048x64xf32>
    %logistic3A_184 = arith.negf %slice3A_183 : vector<2048x64xf32>
    %logistic3A_185 = math.exp %logistic3A_184 : vector<2048x64xf32>
    %logistic3A_186 = arith.constant 1.000000e+00 : f32
    %logistic3A_187 = vector.broadcast %logistic3A_186 : f32 to vector<2048x64xf32>
    %logistic3A_188 = arith.addf %logistic3A_187, %logistic3A_185 : vector<2048x64xf32>
    %logistic3A_189 = arith.divf %logistic3A_187, %logistic3A_188 : vector<2048x64xf32>
    %slice3A_190 = vector.extract_strided_slice %add3A_182 {offsets = [0, 64], sizes = [2048, 64], strides = [1, 1]} : vector<2048x256xf32> to vector<2048x64xf32>
    %logistic3A_191 = arith.negf %slice3A_190 : vector<2048x64xf32>
    %logistic3A_192 = math.exp %logistic3A_191 : vector<2048x64xf32>
    %logistic3A_193 = arith.constant 1.000000e+00 : f32
    %logistic3A_194 = vector.broadcast %logistic3A_193 : f32 to vector<2048x64xf32>
    %logistic3A_195 = arith.addf %logistic3A_194, %logistic3A_192 : vector<2048x64xf32>
    %logistic3A_196 = arith.divf %logistic3A_194, %logistic3A_195 : vector<2048x64xf32>
    %slice3A_197 = vector.extract_strided_slice %add3A_182 {offsets = [0, 128], sizes = [2048, 64], strides = [1, 1]} : vector<2048x256xf32> to vector<2048x64xf32>
    %tanh3A_198 = math.tanh %slice3A_197 : vector<2048x64xf32>
    %slice3A_199 = vector.extract_strided_slice %add3A_182 {offsets = [0, 192], sizes = [2048, 64], strides = [1, 1]} : vector<2048x256xf32> to vector<2048x64xf32>
    %logistic3A_200 = arith.negf %slice3A_199 : vector<2048x64xf32>
    %logistic3A_201 = math.exp %logistic3A_200 : vector<2048x64xf32>
    %logistic3A_202 = arith.constant 1.000000e+00 : f32
    %logistic3A_203 = vector.broadcast %logistic3A_202 : f32 to vector<2048x64xf32>
    %logistic3A_204 = arith.addf %logistic3A_203, %logistic3A_201 : vector<2048x64xf32>
    %logistic3A_205 = arith.divf %logistic3A_203, %logistic3A_204 : vector<2048x64xf32>
    %mul3A_206 = arith.mulf %logistic3A_196, %add3A_175 : vector<2048x64xf32>
    %mul3A_207 = arith.mulf %logistic3A_189, %tanh3A_198 : vector<2048x64xf32>
    %add3A_208 = arith.addf %mul3A_206, %mul3A_207 : vector<2048x64xf32>
    %tanh3A_209 = math.tanh %add3A_208 : vector<2048x64xf32>
    %mul3A_210 = arith.mulf %logistic3A_205, %tanh3A_209 : vector<2048x64xf32>
    %slice3A_211 = vector.extract_strided_slice %add3A_10 {offsets = [12288, 0], sizes = [2048, 256], strides = [1, 1]} : vector<16384x256xf32> to vector<2048x256xf32>
    %convert_element_type3A_212 = arith.truncf %mul3A_210 : vector<2048x64xf32> to vector<2048x64xbf16>
    %dot_general3A_213 = arith.constant dense<0.000000e+00> : vector<2048x256xf32>
    %dot_general3A_214 = tpu.matmul %convert_element_type3A_212, %get3A_13, %dot_general3A_213 {dimension_numbers = #tpu.dot_dimension_numbers<[1], [0], [0], [1], [0, 0, 1, 1], [], []>, transpose_lhs_hint = false} : vector<2048x64xbf16>, vector<64x256xbf16>, vector<2048x256xf32> -> vector<2048x256xf32>
    %add3A_215 = arith.addf %slice3A_211, %dot_general3A_214 : vector<2048x256xf32>
    %slice3A_216 = vector.extract_strided_slice %add3A_215 {offsets = [0, 0], sizes = [2048, 64], strides = [1, 1]} : vector<2048x256xf32> to vector<2048x64xf32>
    %logistic3A_217 = arith.negf %slice3A_216 : vector<2048x64xf32>
    %logistic3A_218 = math.exp %logistic3A_217 : vector<2048x64xf32>
    %logistic3A_219 = arith.constant 1.000000e+00 : f32
    %logistic3A_220 = vector.broadcast %logistic3A_219 : f32 to vector<2048x64xf32>
    %logistic3A_221 = arith.addf %logistic3A_220, %logistic3A_218 : vector<2048x64xf32>
    %logistic3A_222 = arith.divf %logistic3A_220, %logistic3A_221 : vector<2048x64xf32>
    %slice3A_223 = vector.extract_strided_slice %add3A_215 {offsets = [0, 64], sizes = [2048, 64], strides = [1, 1]} : vector<2048x256xf32> to vector<2048x64xf32>
    %logistic3A_224 = arith.negf %slice3A_223 : vector<2048x64xf32>
    %logistic3A_225 = math.exp %logistic3A_224 : vector<2048x64xf32>
    %logistic3A_226 = arith.constant 1.000000e+00 : f32
    %logistic3A_227 = vector.broadcast %logistic3A_226 : f32 to vector<2048x64xf32>
    %logistic3A_228 = arith.addf %logistic3A_227, %logistic3A_225 : vector<2048x64xf32>
    %logistic3A_229 = arith.divf %logistic3A_227, %logistic3A_228 : vector<2048x64xf32>
    %slice3A_230 = vector.extract_strided_slice %add3A_215 {offsets = [0, 128], sizes = [2048, 64], strides = [1, 1]} : vector<2048x256xf32> to vector<2048x64xf32>
    %tanh3A_231 = math.tanh %slice3A_230 : vector<2048x64xf32>
    %slice3A_232 = vector.extract_strided_slice %add3A_215 {offsets = [0, 192], sizes = [2048, 64], strides = [1, 1]} : vector<2048x256xf32> to vector<2048x64xf32>
    %logistic3A_233 = arith.negf %slice3A_232 : vector<2048x64xf32>
    %logistic3A_234 = math.exp %logistic3A_233 : vector<2048x64xf32>
    %logistic3A_235 = arith.constant 1.000000e+00 : f32
    %logistic3A_236 = vector.broadcast %logistic3A_235 : f32 to vector<2048x64xf32>
    %logistic3A_237 = arith.addf %logistic3A_236, %logistic3A_234 : vector<2048x64xf32>
    %logistic3A_238 = arith.divf %logistic3A_236, %logistic3A_237 : vector<2048x64xf32>
    %mul3A_239 = arith.mulf %logistic3A_229, %add3A_208 : vector<2048x64xf32>
    %mul3A_240 = arith.mulf %logistic3A_222, %tanh3A_231 : vector<2048x64xf32>
    %add3A_241 = arith.addf %mul3A_239, %mul3A_240 : vector<2048x64xf32>
    %tanh3A_242 = math.tanh %add3A_241 : vector<2048x64xf32>
    %mul3A_243 = arith.mulf %logistic3A_238, %tanh3A_242 : vector<2048x64xf32>
    %slice3A_244 = vector.extract_strided_slice %add3A_10 {offsets = [14336, 0], sizes = [2048, 256], strides = [1, 1]} : vector<16384x256xf32> to vector<2048x256xf32>
    %convert_element_type3A_245 = arith.truncf %mul3A_243 : vector<2048x64xf32> to vector<2048x64xbf16>
    %dot_general3A_246 = arith.constant dense<0.000000e+00> : vector<2048x256xf32>
    %dot_general3A_247 = tpu.matmul %convert_element_type3A_245, %get3A_13, %dot_general3A_246 {dimension_numbers = #tpu.dot_dimension_numbers<[1], [0], [0], [1], [0, 0, 1, 1], [], []>, transpose_lhs_hint = false} : vector<2048x64xbf16>, vector<64x256xbf16>, vector<2048x256xf32> -> vector<2048x256xf32>
    %add3A_248 = arith.addf %slice3A_244, %dot_general3A_247 : vector<2048x256xf32>
    %slice3A_249 = vector.extract_strided_slice %add3A_248 {offsets = [0, 0], sizes = [2048, 64], strides = [1, 1]} : vector<2048x256xf32> to vector<2048x64xf32>
    %logistic3A_250 = arith.negf %slice3A_249 : vector<2048x64xf32>
    %logistic3A_251 = math.exp %logistic3A_250 : vector<2048x64xf32>
    %logistic3A_252 = arith.constant 1.000000e+00 : f32
    %logistic3A_253 = vector.broadcast %logistic3A_252 : f32 to vector<2048x64xf32>
    %logistic3A_254 = arith.addf %logistic3A_253, %logistic3A_251 : vector<2048x64xf32>
    %logistic3A_255 = arith.divf %logistic3A_253, %logistic3A_254 : vector<2048x64xf32>
    %slice3A_256 = vector.extract_strided_slice %add3A_248 {offsets = [0, 64], sizes = [2048, 64], strides = [1, 1]} : vector<2048x256xf32> to vector<2048x64xf32>
    %logistic3A_257 = arith.negf %slice3A_256 : vector<2048x64xf32>
    %logistic3A_258 = math.exp %logistic3A_257 : vector<2048x64xf32>
    %logistic3A_259 = arith.constant 1.000000e+00 : f32
    %logistic3A_260 = vector.broadcast %logistic3A_259 : f32 to vector<2048x64xf32>
    %logistic3A_261 = arith.addf %logistic3A_260, %logistic3A_258 : vector<2048x64xf32>
    %logistic3A_262 = arith.divf %logistic3A_260, %logistic3A_261 : vector<2048x64xf32>
    %slice3A_263 = vector.extract_strided_slice %add3A_248 {offsets = [0, 128], sizes = [2048, 64], strides = [1, 1]} : vector<2048x256xf32> to vector<2048x64xf32>
    %tanh3A_264 = math.tanh %slice3A_263 : vector<2048x64xf32>
    %slice3A_265 = vector.extract_strided_slice %add3A_248 {offsets = [0, 192], sizes = [2048, 64], strides = [1, 1]} : vector<2048x256xf32> to vector<2048x64xf32>
    %logistic3A_266 = arith.negf %slice3A_265 : vector<2048x64xf32>
    %logistic3A_267 = math.exp %logistic3A_266 : vector<2048x64xf32>
    %logistic3A_268 = arith.constant 1.000000e+00 : f32
    %logistic3A_269 = vector.broadcast %logistic3A_268 : f32 to vector<2048x64xf32>
    %logistic3A_270 = arith.addf %logistic3A_269, %logistic3A_267 : vector<2048x64xf32>
    %logistic3A_271 = arith.divf %logistic3A_269, %logistic3A_270 : vector<2048x64xf32>
    %mul3A_272 = arith.mulf %logistic3A_262, %add3A_241 : vector<2048x64xf32>
    %mul3A_273 = arith.mulf %logistic3A_255, %tanh3A_264 : vector<2048x64xf32>
    %add3A_274 = arith.addf %mul3A_272, %mul3A_273 : vector<2048x64xf32>
    %tanh3A_275 = math.tanh %add3A_274 : vector<2048x64xf32>
    %mul3A_276 = arith.mulf %logistic3A_271, %tanh3A_275 : vector<2048x64xf32>
    %swap3A = arith.constant 0 : index
    %swap3A_277 = arith.constant 0 : index
    %swap3A_278 = vector.load %arg5[%swap3A, %swap3A_277] : memref<2048x64xf32, #tpu.memory_space<vmem>>, vector<2048x64xf32>
    tpu.vector_store %arg5[%swap3A, %swap3A_277], %mul3A_276 {strides = array<i32>} : memref<2048x64xf32, #tpu.memory_space<vmem>>, vector<2048x64xf32>,
    return
  }
  func.func @transform_0(%arg0: i32) -> (i32, i32, i32) {
    %c0_i32 = arith.constant 0 : i32
    %c0_i32_0 = arith.constant 0 : i32
    %c0_i32_1 = arith.constant 0 : i32
    return %c0_i32, %arg0, %c0_i32_0 : i32, i32, i32
  }
  func.func @transform_1(%arg0: i32) -> (i32, i32) {
    %c0_i32 = arith.constant 0 : i32
    %c0_i32_0 = arith.constant 0 : i32
    %c0_i32_1 = arith.constant 0 : i32
    return %c0_i32, %c0_i32_0 : i32, i32
  }
  func.func @transform_2(%arg0: i32) -> (i32, i32) {
    %c0_i32 = arith.constant 0 : i32
    %c0_i32_0 = arith.constant 0 : i32
    %c0_i32_1 = arith.constant 0 : i32
    return %c0_i32, %c0_i32_0 : i32, i32
  }
  func.func @transform_3(%arg0: i32) -> (i32, i32) {
    %c0_i32 = arith.constant 0 : i32
    %c0_i32_0 = arith.constant 0 : i32
    %c0_i32_1 = arith.constant 0 : i32
    return %c0_i32, %c0_i32_0 : i32, i32
  }
  func.func @transform_4(%arg0: i32) -> (i32, i32) {
    %c0_i32 = arith.constant 0 : i32
    %c0_i32_0 = arith.constant 0 : i32
    return %arg0, %c0_i32 : i32, i32
  }
}

</mosaic_0001>

<sc_bundles>
// kernel: kernel.5.cloned.1.call-start
scs
__scs_entry_jumppad:
0x0: {  	(pc) =	sbr.rel $0x88, $3  }
0x1: {  	(tag) =	ssettag $0x0;
	lr =	simm.s32 $0x1  }
0x2: {  	[smem:$0x3F94] =	sst lr;
	_ =	strace $0xD0000000  }
0x3: {  	_ = 	snop  }
0x4: {  	_ = 	snop  }
0x5: {  	_ = 	snop  }
0x6: {  	_ = 	snop  }
0x7: {  	_ = 	snop  }
__scs_overlays_trampoline_lowered:
0x8: {  	[smem:$0x3FA3] =	sst s0  }
0x9: {  	[smem:$0x3FA4] =	sst s1  }
0xa: {  	[smem:$0x3FA5] =	sst s2  }
0xb: {  	[smem:$0x3FA6] =	sst s3  }
0xc: {  	[smem:$0x3FA7] =	sst s4  }
0xd: {  	[smem:$0x3FA8] =	sst s5  }
0xe: {  	[smem:$0x3FA9] =	sst s6  }
0xf: {  	[smem:$0x3FAA] =	sst s7  }
0x10: {  	[smem:$0x3FAB] =	sst s8  }
0x11: {  	[smem:$0x3FAC] =	sst s9;
	s0 =	simm.s32 @!p0 $0x0  }
0x12: {  	s1 =	sld [smem:$0x3F92];
	s0 =	simm.s32 @p0 $0x1  }
0x13: {  	[smem:$0x3FAD] =	sst s0;
	s0 =	simm.s32 @!p1 $0x0  }
0x14: {  	s2 =	sld [smem:$0x3F91];
	s0 =	simm.s32 @p1 $0x1  }
0x15: {  	[smem:$0x3FAE] =	sst s0;
	s0 =	simm.s32 @!p2 $0x0  }
0x16: {  	s3 =	sld [smem:$0x3FDB];
	s0 =	simm.s32 @p2 $0x1  }
0x17: {  	s4 =	simm.s32 $0x1BF5;
	[smem:$0x3FB0] =	sst s0  }
0x18: {  	s0 =	sld [smem:$0x3F93];
	_ =	swait.ge [sflag:s4], $0x0  }
0x19: {  	s7 =	sld [smem:$0x3F94]  }
0x1a: {  	s8 =	sadd.s32 $0xFFFFE003, lr  }
0x1b: {  	s9 =	sadd.s32 $0xFFFFFEF7, lr;
	s5 =	simm.s32 $0xFFFFFFFF;
	p2 =	slt.u32 s8, $0xFFFFF086  }
0x1c: {  	p1 =	slt.u32 s9, $0xF7A;
	s5 =	simm.s32 @!p2 $0x0  }
0x1d: {  	s5 =	simm.s32 @p1 $0x1;
	p0 =	seq.s32 s7, s2  }
0x1e: {  	s7 =	smul.u32 @!p0 $0xF7A, s2;
	p2 =	seq.s32 @!p0 s5, $0x0  }
0x1f: {  	s9 =	smul.u32 $0xF7A, s1;
	s8 =	simm.s32 @!p0 $0x1BF5;
	p2 =	por !p2, p0  }
0x20: {  	[sflag:s8] =	ssyncset.s32 @!p0 $0xFFFFF086;
	s6 =	sadd.s32 @!p0 s3, s7;
	s7 =	simm.s32 @!p0 $0x108  }
0x21: {  	s3 =	sadd.s32 s3, s9;
	s6 =	sadd.s32 @!p0 $0x88, s6;
	s7 =	simm.s32 @p2 $0x1082  }
0x22: {  	[simem:s7], [sflag:s8] =	dma.local @!p0 [hbm:s6], $0xF7A  }
0x23: {  	s9 =	sor.u32 $0xD0000000, s2;
	s6 =	simm.s32 $0x108;
	_ =	swait.ge @!p0 [sflag:s8], $0x0  }
0x24: {  	s3 =	sadd.s32 $0x88, s3;
	s6 =	simm.s32 @!p1 $0x1082;
	[sflag:s4] =	ssyncset.s32 $0xFFFFF086  }
0x25: {  	[simem:s6], [sflag:s4] =	dma.local [hbm:s3], $0xF7A  }
0x26: {  	[smem:$0x3F94] =	sst s1;
	(tag) =	ssettag s2;
	_ =	strace s9  }
0x27: {  	s1 =	sld [smem:$0x3FA4]  }
0x28: {  	s2 =	sld [smem:$0x3FA5]  }
0x29: {  	s4 =	sld [smem:$0x3FA7]  }
0x2a: {  	p0 =	seq.s32 s5, $0x0;
	s5 =	sld [smem:$0x3FA8]  }
0x2b: {  	s6 =	sld [smem:$0x3FA9]  }
0x2c: {  	s7 =	sld [smem:$0x3FAA]  }
0x2d: {  	s3 =	simm.s32 $0x108;
	s8 =	sld [smem:$0x3FAB]  }
0x2e: {  	s3 =	simm.s32 @!p0 $0x1082;
	s9 =	sld [smem:$0x3FAC]  }
0x2f: {  	lr =	sadd.s32 s0, s3;
	s0 =	sld [smem:$0x3FA3]  }
0x30: {  	s3 =	sld [smem:$0x3FA6]  }
0x31: {  	[smem:$0x3FAF] =	sst s10  }
0x32: {  	s10 =	sld [smem:$0x3FAD];
	_ =	sdelay $0x3  }
0x33: {  	p0 =	seq.s32 s10, $0x1;
	s10 =	sld [smem:$0x3FAF];
	_ =	sdelay $0x3  }
0x34: {  	[smem:$0x3FAF] =	sst s10  }
0x35: {  	s10 =	sld [smem:$0x3FAE];
	_ =	sdelay $0x3  }
0x36: {  	p1 =	seq.s32 s10, $0x1;
	s10 =	sld [smem:$0x3FAF];
	_ =	sdelay $0x3  }
0x37: {  	[smem:$0x3FAF] =	sst s10  }
0x38: {  	s10 =	sld [smem:$0x3FB0]  }
0x39: {  	_ = 	snop;
	(pc) =	sbr.ind lr, $3  }
0x3a: {  	_ = 	snop  }
0x3b: {  	_ = 	snop  }
0x3c: {  	p2 =	seq.s32 s10, $0x1;
	s10 =	sld [smem:$0x3FAF]  }
0x3d: {  	_ =	shalt  }
0x3e: {  	_ =	shalt  }
0x3f: {  	_ =	shalt  }
0x40: {  	_ =	shalt  }
0x41: {  	_ =	shalt  }
0x42: {  	_ =	shalt  }
0x43: {  	_ =	shalt  }
0x44: {  	_ =	shalt  }
0x45: {  	_ =	shalt  }
0x46: {  	_ =	shalt  }
0x47: {  	_ =	shalt  }
0x48: {  	_ =	shalt  }
0x49: {  	_ =	shalt  }
0x4a: {  	_ =	shalt  }
0x4b: {  	_ =	shalt  }
0x4c: {  	_ =	shalt  }
0x4d: {  	_ =	shalt  }
0x4e: {  	_ =	shalt  }
0x4f: {  	_ =	shalt  }
0x50: {  	_ =	shalt  }
0x51: {  	_ =	shalt  }
0x52: {  	_ =	shalt  }
0x53: {  	_ =	shalt  }
0x54: {  	_ =	shalt  }
0x55: {  	_ =	shalt  }
0x56: {  	_ =	shalt  }
0x57: {  	_ =	shalt  }
0x58: {  	_ =	shalt  }
0x59: {  	_ =	shalt  }
0x5a: {  	_ =	shalt  }
0x5b: {  	_ =	shalt  }
0x5c: {  	_ =	shalt  }
0x5d: {  	_ =	shalt  }
0x5e: {  	_ =	shalt  }
0x5f: {  	_ =	shalt  }
0x60: {  	_ =	shalt  }
0x61: {  	_ =	shalt  }
0x62: {  	_ =	shalt  }
0x63: {  	_ =	shalt  }
0x64: {  	_ =	shalt  }
0x65: {  	_ =	shalt  }
0x66: {  	_ =	shalt  }
0x67: {  	_ =	shalt  }
0x68: {  	_ =	shalt  }
0x69: {  	_ =	shalt  }
0x6a: {  	_ =	shalt  }
0x6b: {  	_ =	shalt  }
0x6c: {  	_ =	shalt  }
0x6d: {  	_ =	shalt  }
0x6e: {  	_ =	shalt  }
0x6f: {  	_ =	shalt  }
0x70: {  	_ =	shalt  }
0x71: {  	_ =	shalt  }
0x72: {  	_ =	shalt  }
0x73: {  	_ =	shalt  }
0x74: {  	_ =	shalt  }
0x75: {  	_ =	shalt  }
0x76: {  	_ =	shalt  }
0x77: {  	_ =	shalt  }
0x78: {  	_ =	shalt  }
0x79: {  	_ =	shalt  }
0x7a: {  	_ =	shalt  }
0x7b: {  	_ =	shalt  }
0x7c: {  	_ =	shalt  }
0x7d: {  	_ =	shalt  }
0x7e: {  	_ =	shalt  }
0x7f: {  	_ =	shalt  }
0x80: {  	_ =	shalt  }
0x81: {  	_ =	shalt  }
0x82: {  	_ =	shalt  }
0x83: {  	_ =	shalt  }
0x84: {  	_ =	shalt  }
0x85: {  	_ =	shalt  }
0x86: {  	_ =	shalt  }
0x87: {  	_ =	shalt  }
.Lfunc_end0:
.L_simem_size_0:
called_computation_lowered:
.L_overlay_start_0:
0x88: {  	s2 =	sld [smem:$0x3FD9]  }
0x89: {  	s3 =	sld [smem:$0x3FFE];
	_ =	sdelay $0x1  }
0x8a: {  	s1 =	srdreg.scid  }
0x8b: {  	s0 =	sand.u32 $0x1, s1  }
0x8c: {  	s16 =	sshll.u32 s0, $0xA;
	s2 =	sadd.s32 s3, s2  }
0x8d: {  	s2 =	sadd.s32 s2, s16  }
0x8e: {  	[smem:$0x3FBB] =	sst s2  }
0x8f: {  	_ = 	snop  }
0x90: {  	(tm) =	ssettm $0x1  }
0x91: {  	s17 =	sld [smem:$0x3FFB];
	_ =	sdelay $0x3  }
0x92: {  	_ =	strace s17  }
0x93: {  	s2 =	sld [smem:$0x3FFC];
	_ =	sdelay $0x3  }
0x94: {  	_ =	strace s2  }
0x95: {  	s2 =	sld [smem:$0x3FFD];
	_ =	sdelay $0x3  }
0x96: {  	_ =	strace s2  }
0x97: {  	_ =	strace $0x8FFFFFFF  }
0x98: {  	s18 =	sld [smem:$0x3FDB];
	_ =	sdelay $0x1  }
0x99: {  	s19 =	simm.s32 $_scs_section_size  }
0x9a: {  	s4 =	simm.s32 $_size__tile_overlayer_lowered;
	s5 =	simm.s32 $_tile_overlayer_lowered  }
0x9b: {  	s22 =	simm.s32 $0x1BFF;
	s21 =	sshll.u32 s5, $0x1;
	s2 =	sadd.s32 s19, s18  }
0x9c: {  	s6 =	simm.s32 $0x0;
	s20 =	sshll.u32 s4, $0x1;
	s4 =	sadd.s32 s21, s2  }
0x9d: {  	[timem:s6], [sflag:s22] =	dma.local [hbm:s4], s20  }
0x9e: {  	_ =	swait.ge [sflag:s22], s20  }
0x9f: {  	s3 =	ssub.s32 $0x0, s20;
	[sflag:s22] =	ssyncset.done $0x0  }
0xa0: {  	[sflag:s22] =	ssyncadd.s32 s3;
	_ =	sdelay $0x1  }
0xa1: {  	s23 =	simm.s32 $0x1B8B  }
0xa2: {  	_ =	swait.ge [sflag:s23], $0x1  }
0xa3: {  	[sflag:s23] =	ssyncset.done $0x0  }
0xa4: {  	s25 =	simm.s32 $0x1B8E;
	s24 =	sld [smem:$0x3FFE];
	[sflag:s23] =	ssyncadd.s32 $0xFFFFFFFF  }
0xa5: {  	s26 =	simm.s32 $execute0_lowered;
	[smem:$0x3FD2] =	sst s25  }
0xa6: {  	s4 =	sshll.u32 s26, $0x1;
	_ =	strace $0x80000046;
	[dreg:$0x1] =	wrdreg $0xFFFFFFFF  }
0xa7: {  	s28 =	simm.s32 $_size_execute0_lowered;
	s2 =	sadd.s32 s2, s4;
	[dreg:$0x0] =	wrdreg $0x0  }
0xa8: {  	s4 =	sshll.u32 s28, $0x1;
	[dreg:$0x2] =	wrdreg s2  }
0xa9: {  	[dreg:$0x3] =	wrdreg s4  }
0xaa: {  	[dreg:$0x4] =	wrdreg $0xC0  }
0xab: {  	_ =	task [dreg:s6], $0x5FFFF  }
0xac: {  	[dreg:$0x1] =	wrdreg $0xFFFFFFFF  }
0xad: {  	[dreg:$0x0] =	wrdreg $0x60  }
0xae: {  	[dreg:$0x2] =	wrdreg s24  }
0xaf: {  	[dreg:$0x3] =	wrdreg $0x9  }
0xb0: {  	_ =	task.clear_ibuf [dreg:s6], $0x4FFFF;
	_ =	strace $0x90000046  }
0xb1: {  	s29 =	simm.s32 $0x9;
	_ =	strace $0x80000048  }
0xb2: {  	_ =	swait.ge [sflag:s29], $0x1  }
0xb3: {  	[sflag:s29] =	ssyncadd.s32 $0xFFFFFFFF  }
0xb4: {  	_ =	strace $0x90000048  }
0xb5: {  	_ =	sfence  }
0xb6: {  	s30 =	sld [smem:$0x0];
	_ =	sdelay $0x2  }
0xb7: {  	s31 =	sshll.u32 s1, $0xD;
	s1 =	sshrl.u32 s1, $0x2  }
0xb8: {  	s3 =	sand.u32 $0x4000, s31;
	s1 =	sadd.s32 s1, s30  }
0xb9: {  	s0 =	sor.u32 s3, s0;
	s1 =	sshll.u32 s1, $0x11  }
0xba: {  	s0 =	sor.u32 s1, s0  }
0xbb: {  	s0 =	sadd.s32 $0x8F2B, s0  }
0xbc: {  	[sflag:s0] =	ssyncadd.remote.s32 $0x1  }
0xbd: {  	_ =	sfence.sel $0xFFFF  }
0xbe: {  	[dreg:$0x0] =	wrdreg $0xFFFFFFFF;
	(pc) =	sbr.abs _section_cstart, $3  }
0xbf: {  	[dreg:$0x1] =	wrdreg $0xFFFFFFFF  }
0xc0: {  	_ =	task.clear_ibuf [dreg:s6], $0x2FFFF;
	_ =	strace $0x9FFFFFFF  }
0xc1: {  	(tm) =	ssettm $0x7FFFFFFF  }
tec
execute0_lowered:
.L_overlay_start_1:
0x0: {  	(tag) =	ssettag $0x1  }
0x1: {  	s5 =	rddreg [dreg:$0x0]  }
0x2: {  	s0 =	rddreg [dreg:$0x1]  }
0x3: {  	s2 =	simm.s32 $0x0;
	s3 =	srdreg.scid;
	s1 =	stileid.u32  }
0x4: {  	s10 =	simm.s32 $0x80;
	s11 =	simm.s32 $0x1000;
	s12 =	simm.s32 $0x9000  }
0x5: {  	s13 =	simm.s32 $0x3000;
	s14 =	simm.s32 $0xB000;
	s15 =	simm.s32 $0x5000  }
0x6: {  	s16 =	simm.s32 $0xD000;
	s17 =	simm.s32 $0x7000;
	s18 =	simm.s32 $0xF000  }
0x7: {  	s19 =	simm.s32 $0x1;
	s20 =	simm.s32 $0x40;
	s21 =	simm.s32 $0x2  }
0x8: {  	s22 =	simm.s32 $0x0;
	[smem:$0x7FF] =	sst s2;
	s6 =	sand.u32 $0x1, s3  }
0x9: {  	s3 =	sadd.s32 $0x202000, s5;
	s7 =	sshll.u32 s1, $0x9;
	s4 =	sadd.s32 $0x2000, s5  }
0xa: {  	s28 =	sshll.u32 s1, $0x10;
	_ =	strace $0x80000047;
	s8 =	sshll.u32 s6, $0x8  }
0xb: {  	s9 =	ssub.s32 $0x2, s6;
	s6 =	sshll.u32 s6, $0xF;
	s7 =	sor.u32 s8, s7  }
0xc: {  	s8 =	sadd.s32 s28, s5;
	s29 =	sshrl.u32 s9, $0x1;
	s7 =	sadd.s32 s7, s5  }
0xd: {  	s6 =	sadd.s32 s6, s8;
	s30 =	ssub.s32 s9, s29;
	s8 =	simm.s32 $0x3  }
0xe: {  	s9 =	simm.s32 $0x800;
	s5 =	sadd.s32 $0x3000, s7;
	s31 =	sadd.s32 $0x7000, s6  }
0xf: {  	s6 =	sadd.s32 $0x5000, s7;
	s7 =	smax.u32 s30, $0x1;
	[dreg:$0x2] =	wrdreg s31  }
.LBB2_1:
0x10: {  	[tilespmem:s2], [sflag:$0x3] =	stream.linear.gather [hbm4b:s5+s2], $0x800, $0x38;
	[tilespmem:$0x11000] =	vst v63  }
0x11: {  	_ =	swait.ge [sflag:s8], $0x800  }
0x12: {  	[sflag:s8] =	ssyncset.done $0x0  }
0x13: {  	[sflag:s8] =	ssyncadd.s32 $0xFFFFF800  }
0x14: {  	[tilespmem:s9], [sflag:$0x3] =	stream.linear.gather [hbm4b:s6+s2], $0x800, $0x38;
	[tilespmem:$0x11000] =	vst v63  }
0x15: {  	_ =	swait.ge [sflag:s8], $0x800  }
0x16: {  	[sflag:s8] =	ssyncset.done $0x0  }
0x17: {  	s23 =	simm.s32 $0x0;
	[sflag:s8] =	ssyncadd.s32 $0xFFFFF800  }
0x18: {  	[tilespmem:s11], [sflag:$0x1] =	stream.indirect.gather [hbm4b:s3+s10], $0x40, s23, s10, $0xb8;
	[tilespmem:$0x11000] =	vst v63  }
0x19: {  	s25 =	simm.s32 $0x800  }
0x1a: {  	[tilespmem:s12], [sflag:$0x2] =	stream.indirect.gather [hbm4b:s4+s10], $0x40, s25, s10, $0xb8;
	[tilespmem:$0x11000] =	vst v63  }
0x1b: {  	s26 =	simm.s32 $0x80  }
0x1c: {  	[tilespmem:s13], [sflag:$0x1] =	stream.indirect.gather [hbm4b:s3+s10], $0x40, s26, s10, $0xb8;
	[tilespmem:$0x11000] =	vst v63  }
0x1d: {  	s28 =	simm.s32 $0x880  }
0x1e: {  	[tilespmem:s14], [sflag:$0x2] =	stream.indirect.gather [hbm4b:s4+s10], $0x40, s28, s10, $0xb8;
	[tilespmem:$0x11000] =	vst v63  }
0x1f: {  	s29 =	simm.s32 $0x100  }
0x20: {  	[tilespmem:s15], [sflag:$0x1] =	stream.indirect.gather [hbm4b:s3+s10], $0x40, s29, s10, $0xb8;
	[tilespmem:$0x11000] =	vst v63  }
0x21: {  	s30 =	simm.s32 $0x900  }
0x22: {  	[tilespmem:s16], [sflag:$0x2] =	stream.indirect.gather [hbm4b:s4+s10], $0x40, s30, s10, $0xb8;
	[tilespmem:$0x11000] =	vst v63  }
0x23: {  	s31 =	simm.s32 $0x180  }
0x24: {  	[tilespmem:s17], [sflag:$0x1] =	stream.indirect.gather [hbm4b:s3+s10], $0x40, s31, s10, $0xb8;
	[tilespmem:$0x11000] =	vst v63  }
0x25: {  	s24 =	simm.s32 $0x980  }
0x26: {  	[tilespmem:s18], [sflag:$0x2] =	stream.indirect.gather [hbm4b:s4+s10], $0x40, s24, s10, $0xb8;
	[tilespmem:$0x11000] =	vst v63  }
0x27: {  	_ =	swait.ge [sflag:s19], $0x2000  }
0x28: {  	s25 =	rddreg [dreg:$0x2];
	[sflag:s19] =	ssyncset.done $0x0  }
0x29: {  	[sflag:s19] =	ssyncadd.s32 $0xFFFFE000;
	s23 =	sadd.s32 $0x0, s25  }
0x2a: {  	[hbm4b:s23+s20] =	stream.strided.scatter [tilespmem:s11], [sflag:$0x3], $0x2000, s10, s20, $0x38;
	[tilespmem:$0x11000] =	vst v63  }
0x2b: {  	_ =	swait.ge [sflag:s8], $0x2000  }
0x2c: {  	[sflag:s8] =	ssyncset.done $0x0  }
0x2d: {  	[sflag:s8] =	ssyncadd.s32 $0xFFFFE000  }
0x2e: {  	_ =	swait.ge [sflag:s21], $0x2000  }
0x2f: {  	[sflag:s21] =	ssyncset.done $0x0  }
0x30: {  	s24 =	sadd.s32 $0x8, s23;
	[sflag:s21] =	ssyncadd.s32 $0xFFFFE000  }
0x31: {  	[hbm4b:s24+s20] =	stream.strided.scatter [tilespmem:s12], [sflag:$0x3], $0x2000, s10, s20, $0x38;
	[tilespmem:$0x11000] =	vst v63  }
0x32: {  	_ =	swait.ge [sflag:s8], $0x2000  }
0x33: {  	[sflag:s8] =	ssyncset.done $0x0  }
0x34: {  	[sflag:s8] =	ssyncadd.s32 $0xFFFFE000  }
0x35: {  	_ =	swait.ge [sflag:s19], $0x2000  }
0x36: {  	[sflag:s19] =	ssyncset.done $0x0  }
0x37: {  	s26 =	sadd.s32 $0x800, s23;
	[sflag:s19] =	ssyncadd.s32 $0xFFFFE000  }
0x38: {  	[hbm4b:s26+s20] =	stream.strided.scatter [tilespmem:s13], [sflag:$0x3], $0x2000, s10, s20, $0x38;
	[tilespmem:$0x11000] =	vst v63  }
0x39: {  	_ =	swait.ge [sflag:s8], $0x2000  }
0x3a: {  	[sflag:s8] =	ssyncset.done $0x0  }
0x3b: {  	[sflag:s8] =	ssyncadd.s32 $0xFFFFE000  }
0x3c: {  	_ =	swait.ge [sflag:s21], $0x2000  }
0x3d: {  	[sflag:s21] =	ssyncset.done $0x0  }
0x3e: {  	s28 =	sadd.s32 $0x808, s23;
	[sflag:s21] =	ssyncadd.s32 $0xFFFFE000  }
0x3f: {  	[hbm4b:s28+s20] =	stream.strided.scatter [tilespmem:s14], [sflag:$0x3], $0x2000, s10, s20, $0x38;
	[tilespmem:$0x11000] =	vst v63  }
0x40: {  	_ =	swait.ge [sflag:s8], $0x2000  }
0x41: {  	[sflag:s8] =	ssyncset.done $0x0  }
0x42: {  	[sflag:s8] =	ssyncadd.s32 $0xFFFFE000  }
0x43: {  	_ =	swait.ge [sflag:s19], $0x2000  }
0x44: {  	[sflag:s19] =	ssyncset.done $0x0  }
0x45: {  	s29 =	sadd.s32 $0x1000, s23;
	[sflag:s19] =	ssyncadd.s32 $0xFFFFE000  }
0x46: {  	[hbm4b:s29+s20] =	stream.strided.scatter [tilespmem:s15], [sflag:$0x3], $0x2000, s10, s20, $0x38;
	[tilespmem:$0x11000] =	vst v63  }
0x47: {  	_ =	swait.ge [sflag:s8], $0x2000  }
0x48: {  	[sflag:s8] =	ssyncset.done $0x0  }
0x49: {  	[sflag:s8] =	ssyncadd.s32 $0xFFFFE000  }
0x4a: {  	_ =	swait.ge [sflag:s21], $0x2000  }
0x4b: {  	[sflag:s21] =	ssyncset.done $0x0  }
0x4c: {  	s30 =	sadd.s32 $0x1008, s23;
	[sflag:s21] =	ssyncadd.s32 $0xFFFFE000  }
0x4d: {  	[hbm4b:s30+s20] =	stream.strided.scatter [tilespmem:s16], [sflag:$0x3], $0x2000, s10, s20, $0x38;
	[tilespmem:$0x11000] =	vst v63  }
0x4e: {  	_ =	swait.ge [sflag:s8], $0x2000  }
0x4f: {  	[sflag:s8] =	ssyncset.done $0x0  }
0x50: {  	[sflag:s8] =	ssyncadd.s32 $0xFFFFE000  }
0x51: {  	_ =	swait.ge [sflag:s19], $0x2000  }
0x52: {  	[sflag:s19] =	ssyncset.done $0x0  }
0x53: {  	s31 =	sadd.s32 $0x1800, s23;
	[sflag:s19] =	ssyncadd.s32 $0xFFFFE000  }
0x54: {  	[hbm4b:s31+s20] =	stream.strided.scatter [tilespmem:s17], [sflag:$0x3], $0x2000, s10, s20, $0x38;
	[tilespmem:$0x11000] =	vst v63  }
0x55: {  	_ =	swait.ge [sflag:s8], $0x2000  }
0x56: {  	[sflag:s8] =	ssyncset.done $0x0  }
0x57: {  	[sflag:s8] =	ssyncadd.s32 $0xFFFFE000  }
0x58: {  	_ =	swait.ge [sflag:s21], $0x2000  }
0x59: {  	[sflag:s21] =	ssyncset.done $0x0  }
0x5a: {  	s23 =	sadd.s32 $0x1808, s23;
	[sflag:s21] =	ssyncadd.s32 $0xFFFFE000  }
0x5b: {  	[hbm4b:s23+s20] =	stream.strided.scatter [tilespmem:s18], [sflag:$0x3], $0x2000, s10, s20, $0x38;
	[tilespmem:$0x11000] =	vst v63  }
0x5c: {  	s25 =	simm.s32 $0x800;
	_ =	swait.ge [sflag:s8], $0x2000  }
0x5d: {  	s24 =	simm.s32 $0x4000;
	s23 =	simm.s32 $0x2000;
	[sflag:s8] =	ssyncset.done $0x0  }
.LBB2_2:
0x5e: {  	s26 =	sshra.s32 s25, $0x2;
	[sflag:s8] =	ssyncadd.s32 $0xFFFFE000  }
0x5f: {  	[tilespmem:s11], [sflag:$0x1] =	stream.indirect.gather [hbm4b:s3+s10], $0x40, s26, s10, $0xb8;
	[tilespmem:$0x11000] =	vst v63  }
0x60: {  	s28 =	sadd.s32 $0x800, s26  }
0x61: {  	[tilespmem:s12], [sflag:$0x2] =	stream.indirect.gather [hbm4b:s4+s10], $0x40, s28, s10, $0xb8;
	[tilespmem:$0x11000] =	vst v63  }
0x62: {  	s31 =	sadd.s32 $0x80, s26  }
0x63: {  	[tilespmem:s13], [sflag:$0x1] =	stream.indirect.gather [hbm4b:s3+s10], $0x40, s31, s10, $0xb8;
	[tilespmem:$0x11000] =	vst v63  }
0x64: {  	s30 =	sadd.s32 $0x880, s26  }
0x65: {  	[tilespmem:s14], [sflag:$0x2] =	stream.indirect.gather [hbm4b:s4+s10], $0x40, s30, s10, $0xb8;
	[tilespmem:$0x11000] =	vst v63  }
0x66: {  	s31 =	sadd.s32 $0x100, s26  }
0x67: {  	[tilespmem:s15], [sflag:$0x1] =	stream.indirect.gather [hbm4b:s3+s10], $0x40, s31, s10, $0xb8;
	[tilespmem:$0x11000] =	vst v63  }
0x68: {  	s30 =	sadd.s32 $0x900, s26  }
0x69: {  	[tilespmem:s16], [sflag:$0x2] =	stream.indirect.gather [hbm4b:s4+s10], $0x40, s30, s10, $0xb8;
	[tilespmem:$0x11000] =	vst v63  }
0x6a: {  	s31 =	sadd.s32 $0x180, s26  }
0x6b: {  	[tilespmem:s17], [sflag:$0x1] =	stream.indirect.gather [hbm4b:s3+s10], $0x40, s31, s10, $0xb8;
	[tilespmem:$0x11000] =	vst v63  }
0x6c: {  	s26 =	sadd.s32 $0x980, s26  }
0x6d: {  	[tilespmem:s18], [sflag:$0x2] =	stream.indirect.gather [hbm4b:s4+s10], $0x40, s26, s10, $0xb8;
	[tilespmem:$0x11000] =	vst v63  }
0x6e: {  	_ =	swait.ge [sflag:s19], $0x2000  }
0x6f: {  	s28 =	rddreg [dreg:$0x2];
	[sflag:s19] =	ssyncset.done $0x0  }
0x70: {  	[sflag:s19] =	ssyncadd.s32 $0xFFFFE000;
	s26 =	sadd.s32 s23, s28  }
0x71: {  	[hbm4b:s26+s20] =	stream.strided.scatter [tilespmem:s11], [sflag:$0x3], $0x2000, s10, s20, $0x38;
	[tilespmem:$0x11000] =	vst v63  }
0x72: {  	_ =	swait.ge [sflag:s8], $0x2000  }
0x73: {  	[sflag:s8] =	ssyncset.done $0x0  }
0x74: {  	[sflag:s8] =	ssyncadd.s32 $0xFFFFE000  }
0x75: {  	_ =	swait.ge [sflag:s21], $0x2000  }
0x76: {  	s29 =	smov.u32 s24;
	[sflag:s21] =	ssyncset.done $0x0  }
0x77: {  	s23 =	smov.u32 s29;
	s29 =	sadd.s32 $0x8, s26;
	[sflag:s21] =	ssyncadd.s32 $0xFFFFE000  }
0x78: {  	[hbm4b:s29+s20] =	stream.strided.scatter [tilespmem:s12], [sflag:$0x3], $0x2000, s10, s20, $0x38;
	[tilespmem:$0x11000] =	vst v63  }
0x79: {  	_ =	swait.ge [sflag:s8], $0x2000  }
0x7a: {  	[sflag:s8] =	ssyncset.done $0x0  }
0x7b: {  	[sflag:s8] =	ssyncadd.s32 $0xFFFFE000  }
0x7c: {  	_ =	swait.ge [sflag:s19], $0x2000  }
0x7d: {  	[sflag:s19] =	ssyncset.done $0x0  }
0x7e: {  	s30 =	sadd.s32 $0x800, s26;
	[sflag:s19] =	ssyncadd.s32 $0xFFFFE000  }
0x7f: {  	[hbm4b:s30+s20] =	stream.strided.scatter [tilespmem:s13], [sflag:$0x3], $0x2000, s10, s20, $0x38;
	[tilespmem:$0x11000] =	vst v63  }
0x80: {  	_ =	swait.ge [sflag:s8], $0x2000  }
0x81: {  	[sflag:s8] =	ssyncset.done $0x0  }
0x82: {  	[sflag:s8] =	ssyncadd.s32 $0xFFFFE000  }
0x83: {  	_ =	swait.ge [sflag:s21], $0x2000  }
0x84: {  	[sflag:s21] =	ssyncset.done $0x0  }
0x85: {  	s31 =	sadd.s32 $0x808, s26;
	[sflag:s21] =	ssyncadd.s32 $0xFFFFE000  }
0x86: {  	[hbm4b:s31+s20] =	stream.strided.scatter [tilespmem:s14], [sflag:$0x3], $0x2000, s10, s20, $0x38;
	[tilespmem:$0x11000] =	vst v63  }
0x87: {  	_ =	swait.ge [sflag:s8], $0x2000  }
0x88: {  	[sflag:s8] =	ssyncset.done $0x0  }
0x89: {  	[sflag:s8] =	ssyncadd.s32 $0xFFFFE000  }
0x8a: {  	_ =	swait.ge [sflag:s19], $0x2000  }
0x8b: {  	[sflag:s19] =	ssyncset.done $0x0  }
0x8c: {  	s29 =	sadd.s32 $0x1000, s26;
	[sflag:s19] =	ssyncadd.s32 $0xFFFFE000  }
0x8d: {  	[hbm4b:s29+s20] =	stream.strided.scatter [tilespmem:s15], [sflag:$0x3], $0x2000, s10, s20, $0x38;
	[tilespmem:$0x11000] =	vst v63  }
0x8e: {  	_ =	swait.ge [sflag:s8], $0x2000  }
0x8f: {  	[sflag:s8] =	ssyncset.done $0x0  }
0x90: {  	[sflag:s8] =	ssyncadd.s32 $0xFFFFE000  }
0x91: {  	_ =	swait.ge [sflag:s21], $0x2000  }
0x92: {  	[sflag:s21] =	ssyncset.done $0x0  }
0x93: {  	s30 =	sadd.s32 $0x1008, s26;
	[sflag:s21] =	ssyncadd.s32 $0xFFFFE000  }
0x94: {  	[hbm4b:s30+s20] =	stream.strided.scatter [tilespmem:s16], [sflag:$0x3], $0x2000, s10, s20, $0x38;
	[tilespmem:$0x11000] =	vst v63  }
0x95: {  	_ =	swait.ge [sflag:s8], $0x2000  }
0x96: {  	[sflag:s8] =	ssyncset.done $0x0  }
0x97: {  	[sflag:s8] =	ssyncadd.s32 $0xFFFFE000  }
0x98: {  	_ =	swait.ge [sflag:s19], $0x2000  }
0x99: {  	[sflag:s19] =	ssyncset.done $0x0  }
0x9a: {  	s31 =	sadd.s32 $0x1800, s26;
	[sflag:s19] =	ssyncadd.s32 $0xFFFFE000  }
0x9b: {  	[hbm4b:s31+s20] =	stream.strided.scatter [tilespmem:s17], [sflag:$0x3], $0x2000, s10, s20, $0x38;
	[tilespmem:$0x11000] =	vst v63  }
0x9c: {  	_ =	swait.ge [sflag:s8], $0x2000  }
0x9d: {  	[sflag:s8] =	ssyncset.done $0x0  }
0x9e: {  	[sflag:s8] =	ssyncadd.s32 $0xFFFFE000  }
0x9f: {  	p0 =	sne.s32 s24, $0x6000;
	_ =	swait.ge [sflag:s21], $0x2000  }
.Ltmp0:
0xa0: {  	[sflag:s21] =	ssyncset.done $0x0;
	(pc) =	sbr.rel @p0 .LBB2_2-.Ltmp0, $4  }
0xa1: {  	s26 =	sadd.s32 $0x1808, s26;
	[sflag:s21] =	ssyncadd.s32 $0xFFFFE000  }
0xa2: {  	[hbm4b:s26+s20] =	stream.strided.scatter [tilespmem:s18], [sflag:$0x3], $0x2000, s10, s20, $0x38;
	[tilespmem:$0x11000] =	vst v63  }
0xa3: {  	_ =	swait.ge [sflag:s8], $0x2000  }
0xa4: {  	s24 =	sadd.s32 $0x2000, s24;
	s25 =	sadd.s32 $0x800, s25;
	[sflag:s8] =	ssyncset.done $0x0  }
0xa5: {  	s24 =	sshra.s32 s25, $0x2;
	[sflag:s8] =	ssyncadd.s32 $0xFFFFE000  }
0xa6: {  	[tilespmem:s11], [sflag:$0x1] =	stream.indirect.gather [hbm4b:s3+s10], $0x40, s24, s10, $0xb8;
	[tilespmem:$0x11000] =	vst v63  }
0xa7: {  	s25 =	sadd.s32 $0x800, s24  }
0xa8: {  	[tilespmem:s12], [sflag:$0x2] =	stream.indirect.gather [hbm4b:s4+s10], $0x40, s25, s10, $0xb8;
	[tilespmem:$0x11000] =	vst v63  }
0xa9: {  	s26 =	sadd.s32 $0x80, s24  }
0xaa: {  	[tilespmem:s13], [sflag:$0x1] =	stream.indirect.gather [hbm4b:s3+s10], $0x40, s26, s10, $0xb8;
	[tilespmem:$0x11000] =	vst v63  }
0xab: {  	s28 =	sadd.s32 $0x880, s24  }
0xac: {  	[tilespmem:s14], [sflag:$0x2] =	stream.indirect.gather [hbm4b:s4+s10], $0x40, s28, s10, $0xb8;
	[tilespmem:$0x11000] =	vst v63  }
0xad: {  	s29 =	sadd.s32 $0x100, s24  }
0xae: {  	[tilespmem:s15], [sflag:$0x1] =	stream.indirect.gather [hbm4b:s3+s10], $0x40, s29, s10, $0xb8;
	[tilespmem:$0x11000] =	vst v63  }
0xaf: {  	s30 =	sadd.s32 $0x900, s24  }
0xb0: {  	[tilespmem:s16], [sflag:$0x2] =	stream.indirect.gather [hbm4b:s4+s10], $0x40, s30, s10, $0xb8;
	[tilespmem:$0x11000] =	vst v63  }
0xb1: {  	s31 =	sadd.s32 $0x180, s24  }
0xb2: {  	[tilespmem:s17], [sflag:$0x1] =	stream.indirect.gather [hbm4b:s3+s10], $0x40, s31, s10, $0xb8;
	[tilespmem:$0x11000] =	vst v63  }
0xb3: {  	s24 =	sadd.s32 $0x980, s24  }
0xb4: {  	[tilespmem:s18], [sflag:$0x2] =	stream.indirect.gather [hbm4b:s4+s10], $0x40, s24, s10, $0xb8;
	[tilespmem:$0x11000] =	vst v63  }
0xb5: {  	_ =	swait.ge [sflag:s19], $0x2000  }
0xb6: {  	s25 =	rddreg [dreg:$0x2];
	[sflag:s19] =	ssyncset.done $0x0  }
0xb7: {  	[sflag:s19] =	ssyncadd.s32 $0xFFFFE000;
	s23 =	sadd.s32 s23, s25  }
0xb8: {  	[hbm4b:s23+s20] =	stream.strided.scatter [tilespmem:s11], [sflag:$0x3], $0x2000, s10, s20, $0x38;
	[tilespmem:$0x11000] =	vst v63  }
0xb9: {  	_ =	swait.ge [sflag:s8], $0x2000  }
0xba: {  	[sflag:s8] =	ssyncset.done $0x0  }
0xbb: {  	[sflag:s8] =	ssyncadd.s32 $0xFFFFE000  }
0xbc: {  	_ =	swait.ge [sflag:s21], $0x2000  }
0xbd: {  	[sflag:s21] =	ssyncset.done $0x0  }
0xbe: {  	s24 =	sadd.s32 $0x8, s23;
	[sflag:s21] =	ssyncadd.s32 $0xFFFFE000  }
0xbf: {  	[hbm4b:s24+s20] =	stream.strided.scatter [tilespmem:s12], [sflag:$0x3], $0x2000, s10, s20, $0x38;
	[tilespmem:$0x11000] =	vst v63  }
0xc0: {  	_ =	swait.ge [sflag:s8], $0x2000  }
0xc1: {  	[sflag:s8] =	ssyncset.done $0x0  }
0xc2: {  	[sflag:s8] =	ssyncadd.s32 $0xFFFFE000  }
0xc3: {  	_ =	swait.ge [sflag:s19], $0x2000  }
0xc4: {  	[sflag:s19] =	ssyncset.done $0x0  }
0xc5: {  	s26 =	sadd.s32 $0x800, s23;
	[sflag:s19] =	ssyncadd.s32 $0xFFFFE000  }
0xc6: {  	[hbm4b:s26+s20] =	stream.strided.scatter [tilespmem:s13], [sflag:$0x3], $0x2000, s10, s20, $0x38;
	[tilespmem:$0x11000] =	vst v63  }
0xc7: {  	_ =	swait.ge [sflag:s8], $0x2000  }
0xc8: {  	[sflag:s8] =	ssyncset.done $0x0  }
0xc9: {  	[sflag:s8] =	ssyncadd.s32 $0xFFFFE000  }
0xca: {  	_ =	swait.ge [sflag:s21], $0x2000  }
0xcb: {  	[sflag:s21] =	ssyncset.done $0x0  }
0xcc: {  	s28 =	sadd.s32 $0x808, s23;
	[sflag:s21] =	ssyncadd.s32 $0xFFFFE000  }
0xcd: {  	[hbm4b:s28+s20] =	stream.strided.scatter [tilespmem:s14], [sflag:$0x3], $0x2000, s10, s20, $0x38;
	[tilespmem:$0x11000] =	vst v63  }
0xce: {  	_ =	swait.ge [sflag:s8], $0x2000  }
0xcf: {  	[sflag:s8] =	ssyncset.done $0x0  }
0xd0: {  	[sflag:s8] =	ssyncadd.s32 $0xFFFFE000  }
0xd1: {  	_ =	swait.ge [sflag:s19], $0x2000  }
0xd2: {  	[sflag:s19] =	ssyncset.done $0x0  }
0xd3: {  	s29 =	sadd.s32 $0x1000, s23;
	[sflag:s19] =	ssyncadd.s32 $0xFFFFE000  }
0xd4: {  	[hbm4b:s29+s20] =	stream.strided.scatter [tilespmem:s15], [sflag:$0x3], $0x2000, s10, s20, $0x38;
	[tilespmem:$0x11000] =	vst v63  }
0xd5: {  	_ =	swait.ge [sflag:s8], $0x2000  }
0xd6: {  	[sflag:s8] =	ssyncset.done $0x0  }
0xd7: {  	[sflag:s8] =	ssyncadd.s32 $0xFFFFE000  }
0xd8: {  	_ =	swait.ge [sflag:s21], $0x2000  }
0xd9: {  	[sflag:s21] =	ssyncset.done $0x0  }
0xda: {  	s30 =	sadd.s32 $0x1008, s23;
	[sflag:s21] =	ssyncadd.s32 $0xFFFFE000  }
0xdb: {  	[hbm4b:s30+s20] =	stream.strided.scatter [tilespmem:s16], [sflag:$0x3], $0x2000, s10, s20, $0x38;
	[tilespmem:$0x11000] =	vst v63  }
0xdc: {  	_ =	swait.ge [sflag:s8], $0x2000  }
0xdd: {  	[sflag:s8] =	ssyncset.done $0x0  }
0xde: {  	[sflag:s8] =	ssyncadd.s32 $0xFFFFE000  }
0xdf: {  	_ =	swait.ge [sflag:s19], $0x2000  }
0xe0: {  	[sflag:s19] =	ssyncset.done $0x0  }
0xe1: {  	s31 =	sadd.s32 $0x1800, s23;
	[sflag:s19] =	ssyncadd.s32 $0xFFFFE000  }
0xe2: {  	[hbm4b:s31+s20] =	stream.strided.scatter [tilespmem:s17], [sflag:$0x3], $0x2000, s10, s20, $0x38;
	[tilespmem:$0x11000] =	vst v63  }
0xe3: {  	_ =	swait.ge [sflag:s8], $0x2000  }
0xe4: {  	[sflag:s8] =	ssyncset.done $0x0  }
0xe5: {  	[sflag:s8] =	ssyncadd.s32 $0xFFFFE000  }
0xe6: {  	s22 =	sadd.s32 $0x1, s22;
	_ =	swait.ge [sflag:s21], $0x2000  }
0xe7: {  	p0 =	sne.s32 s22, s7;
	[sflag:s21] =	ssyncset.done $0x0  }
.Ltmp1:
0xe8: {  	s23 =	sadd.s32 $0x1808, s23;
	[sflag:s21] =	ssyncadd.s32 $0xFFFFE000;
	(pc) =	sbr.rel @p0 .LBB2_1-.Ltmp1, $4  }
0xe9: {  	[hbm4b:s23+s20] =	stream.strided.scatter [tilespmem:s18], [sflag:$0x3], $0x2000, s10, s20, $0x38;
	[tilespmem:$0x11000] =	vst v63  }
0xea: {  	_ =	swait.ge [sflag:s8], $0x2000  }
0xeb: {  	[sflag:s8] =	ssyncset.done $0x0  }
0xec: {  	[sflag:s8] =	ssyncadd.s32 $0xFFFFE000  }
0xed: {  	_ =	sfence.sel $0x180000  }
0xee: {  	[bflag:$0x0] =	sbarrier.arrive $0xFFFF  }
0xef: {  	p0 =	sne.s32 s1, $0x0;
	_ =	strace $0x90000047  }
0xf0: {  	s0 =	sadd.s32 @!p0 $0x100000, s0;
	[bflag:$0x2] =	sbarrier.arrive $0xFFFF  }
0xf1: {  	[sflag:s0] =	ssyncadd.tile.s32 @!p0 $0x1;
	_ =	shalt  }
.Lfunc_end2:
_tile_overlayer_lowered:
.L_overlay_start_2:
0xf2: {  	(tag) =	ssettag $0x2  }
0xf3: {  	s0 =	rddreg [dreg:$0x0];
	s2 =	stileid.u32  }
0xf4: {  	s1 =	rddreg [dreg:$0x1];
	p0 =	sne.s32 s2, $0x0  }
0xf5: {  	s3 =	rddreg [dreg:$0x2];
	[bflag:$0x3] =	sbarrier.arrive $0xFFFF;
	s2 =	simm.s32 @!p0 $0x1C03  }
0xf6: {  	[timem:s3], [sflag:s2] =	dma.local @!p0 [hbm:s0], s1  }
0xf7: {  	s0 =	simm.s32 @!p0 $0x3  }
0xf8: {  	_ =	swait.ge @!p0 [sflag:s0], s1  }
0xf9: {  	s1 =	ssub.s32 @!p0 $0x0, s1;
	[sflag:s0] =	ssyncset.done @!p0 $0x0  }
0xfa: {  	[sflag:s0] =	ssyncadd.s32 @!p0 s1  }
0xfb: {  	[bflag:$0x3] =	sbarrier.arrive $0xFFFF  }
0xfc: {  	_ =	shalt  }

</sc_bundles>
